<compile_context>
chip_gen: v7x
topology: tpu7x:2x2x1
jax: 0.10.2.dev20260603
libtpu: 0.0.44.dev20260713+nightly
codegen_flags: <defaults>
</compile_context>

<pallas_src>
import functools

import jax
import jax.numpy as jnp
from jax import lax
from jax.experimental import pallas as pl
from jax.experimental.pallas import tpu as pltpu
from jax.experimental.pallas import tpu_sc as plsc

H = W = 14
HW = H * W
CHUNK = 56
TAILC = 32
MAINT = 24
TAIL = 4
PERN = 4
STRIDE = PERN * CHUNK
NCHUNK = HW * PERN


def kernel(unique_params, index_map):
    info = plsc.get_sparse_core_info()
    nc, ns = info.num_cores, info.num_subcores
    nw = nc * ns
    trips = -(-NCHUNK // nw)
    if trips % 2:
        trips += 1

    mesh = plsc.VectorSubcoreMesh(core_axis_name="c", subcore_axis_name="s")

    @functools.partial(
        pl.kernel,
        mesh=mesh,
        out_type=(jax.ShapeDtypeStruct((HW, HW, 1024), jnp.float32),
                  jax.ShapeDtypeStruct((HW, 8, 1024), jnp.float32)),
        scratch_types=[
            pltpu.VMEM((CHUNK,), jnp.int32),
            pltpu.VMEM((CHUNK,), jnp.int32),
            pltpu.VMEM((CHUNK, 1024), jnp.float32),
            pltpu.VMEM((CHUNK, 1024), jnp.float32),
            pltpu.SemaphoreType.DMA,
            pltpu.SemaphoreType.DMA,
        ],
    )
    def gather_rows(table_hbm, idx_hbm, out_hbm, tail_hbm,
                    idx_v0, idx_v1, rows_v0, rows_v1, sem0, sem1):
        wid = lax.axis_index("s") * nc + lax.axis_index("c")
        idx_v = (idx_v0, idx_v1)
        rows_v = (rows_v0, rows_v1)
        sem = (sem0, sem1)

        def start(t, b):
            c = wid + nw * t

            @pl.when(c < NCHUNK)
            def _():
                k = c % PERN
                base = (c // PERN) * STRIDE + k * CHUNK

                @pl.when(k < PERN - 1)
                def _():
                    pltpu.sync_copy(idx_hbm.at[pl.ds(base, CHUNK)], idx_v[b])
                    pltpu.async_copy(table_hbm.at[idx_v[b]], rows_v[b], sem[b])

                @pl.when(k == PERN - 1)
                def _():
                    pltpu.sync_copy(idx_hbm.at[pl.ds(base, TAILC)],
                                    idx_v[b].at[pl.ds(0, TAILC)])
                    pltpu.async_copy(table_hbm.at[idx_v[b].at[pl.ds(0, TAILC)]],
                                     rows_v[b].at[pl.ds(0, TAILC)], sem[b])

        def finish(t, b):
            c = wid + nw * t

            @pl.when(c < NCHUNK)
            def _():
                n = c // PERN
                k = c % PERN
                j0 = k * CHUNK

                @pl.when(k < PERN - 1)
                def _():
                    pltpu.make_async_copy(table_hbm.at[idx_v[b]],
                                          rows_v[b], sem[b]).wait()
                    pltpu.sync_copy(rows_v[b], out_hbm.at[n, pl.ds(j0, CHUNK)])

                @pl.when(k == PERN - 1)
                def _():
                    pltpu.make_async_copy(
                        table_hbm.at[idx_v[b].at[pl.ds(0, TAILC)]],
                        rows_v[b].at[pl.ds(0, TAILC)], sem[b]).wait()
                    pltpu.sync_copy(rows_v[b].at[pl.ds(0, MAINT)],
                                    out_hbm.at[n, pl.ds(j0, MAINT)])
                    pltpu.sync_copy(rows_v[b].at[pl.ds(MAINT, 8)],
                                    tail_hbm.at[n])

        start(0, 0)

        def body(u, carry):
            t0 = 2 * u
            start(t0 + 1, 1)
            finish(t0, 0)
            start(t0 + 2, 0)
            finish(t0 + 1, 1)
            return carry

        lax.fori_loop(0, trips // 2, body, None)

    idxp = jnp.pad(index_map, ((0, 0), (0, STRIDE - HW))).reshape(HW * STRIDE)
    main, tails = gather_rows(unique_params.reshape(729, 1024), idxp)
    out = lax.dynamic_update_slice(main, tails[:, :TAIL, :], (0, HW - TAIL, 0))
    return out.reshape(HW, HW, 32, 32)

# --- scband reference (transcript-rebuilt; emitter-appended) ---
"""Pipeline reference for scband-shared-parameter-16097537425414 (READ-ONLY COPY).

The authoritative reference and input builder live on the scoring server;
editing this copy changes nothing except your own understanding.
"""

import jax, jax.numpy as jnp
import numpy as np
import math

HEIGHT, WIDTH, IN_DIM, OUT_DIM = 14, 14, 32, 32


def _build_index_map(h, w):
    idx = []
    for x in range(h):
        for y in range(w):
            tmp = []
            for i in range(h):
                for j in range(w):
                    dx = x - i + h - 1
                    dy = y - j + w - 1
                    tmp.append(dx * (2 * w - 1) + dy)
            idx.append(tmp)
    return np.array(idx, dtype=np.int64)


def setup_inputs(seed: int = 0) -> dict:
    key = jax.random.key(seed)
    num_img_tokens = (2 * HEIGHT - 1) * (2 * WIDTH - 1)
    # torch kaiming_uniform_(a=sqrt(5)) on [num, in, out]: fan_in = in*out,
    # gain = sqrt(2/(1+5)) = sqrt(1/3), bound = gain*sqrt(3/fan_in) = sqrt(1/fan_in)
    bound = 1.0 / math.sqrt(IN_DIM * OUT_DIM)
    unique_params = jax.random.uniform(
        key, (num_img_tokens, IN_DIM, OUT_DIM), dtype=jnp.float32,
        minval=-bound, maxval=bound)
    index_map = jnp.asarray(_build_index_map(HEIGHT, WIDTH))
    return {"unique_params": unique_params, "index_map": index_map}


def reference(unique_params, index_map):
    # gather: weight[hw, hw, in_dim, out_dim] = unique_params[index_map]
    weight = jnp.take(unique_params, index_map, axis=0)
    return weight

if __name__ == "__main__":
    import jax
    _d = setup_inputs()
    print(jax.jit(kernel)(*tuple(_d.values())))

</pallas_src>

<mosaic_0001>
#map = affine_map<(d0, d1) -> (0, 0)>
#map1 = affine_map<(d0, d1) -> (0)>
#map2 = affine_map<(d0, d1) -> (0, 0, 0)>
module attributes {stable_mosaic.version = 14 : i64} {
  func.func @gather_rows(%arg0: i32, %arg1: i32, %arg2: memref<729x1024xf32, #tpu.memory_space<hbm>>, %arg3: memref<43904xi32, #tpu.memory_space<hbm>>, %arg4: memref<196x196x1024xf32, #tpu.memory_space<hbm>>, %arg5: memref<196x8x1024xf32, #tpu.memory_space<hbm>>, %arg6: memref<56xi32, #tpu.memory_space<vmem>>, %arg7: memref<56xi32, #tpu.memory_space<vmem>>, %arg8: memref<56x1024xf32, #tpu.memory_space<vmem>>, %arg9: memref<56x1024xf32, #tpu.memory_space<vmem>>, %arg10: memref<!tpu.dma_semaphore, #tpu.memory_space<semaphore_mem>>, %arg11: memref<!tpu.dma_semaphore, #tpu.memory_space<semaphore_mem>>) attributes {dimension_semantics = [#tpu.dimension_semantics<core_parallel>, #tpu.dimension_semantics<subcore_parallel>], iteration_bounds = array<i64: 2, 16>, scalar_prefetch = 0 : i64, scratch_operands = 6 : i64, tpu.core_type = #tpu.core_type<sc_vector_subcore>, window_params = [{transform_indices = #map}, {transform_indices = #map1}, {transform_indices = #map2}, {transform_indices = #map2}]} {
    %mul3A = arith.constant 2 : i32
    %mul3A_0 = arith.muli %arg1, %mul3A : i32
    %add3A = arith.addi %mul3A_0, %arg0 : i32
    %add3A_1 = arith.constant 0 : i32
    %add3A_2 = arith.addi %add3A, %add3A_1 : i32
    %lt3A = arith.constant 784 : i32
    %lt3A_3 = arith.cmpi slt, %add3A_2, %lt3A : i32
    %convert_element_type3A = arith.extui %lt3A_3 : i1 to i32
    %cond3A = arith.constant 0 : i32
    %cond3A_4 = arith.cmpi ne, %convert_element_type3A, %cond3A : i32
    scf.if %cond3A_4 {
      %jit3A = arith.constant 4 : i32
      %eq3A = arith.constant 0 : i32
      %eq3A_9 = arith.cmpi eq, %jit3A, %eq3A : i32
      %jit3A_10 = arith.constant 1 : i32
      %select_n3A = arith.select %eq3A_9, %jit3A_10, %jit3A : i32
      %rem3A = arith.remsi %add3A_2, %select_n3A : i32
      %ne3A = arith.constant 0 : i32
      %ne3A_11 = arith.cmpi ne, %rem3A, %ne3A : i32
      %lt3A_12 = arith.constant 0 : i32
      %lt3A_13 = arith.cmpi slt, %rem3A, %lt3A_12 : i32
      %lt3A_14 = arith.constant 0 : i32
      %lt3A_15 = arith.cmpi slt, %select_n3A, %lt3A_14 : i32
      %ne3A_16 = arith.xori %lt3A_13, %lt3A_15 : i1
      %and3A = arith.andi %ne3A_16, %ne3A_11 : i1
      %add3A_17 = arith.addi %rem3A, %select_n3A : i32
      %select_n3A_18 = arith.select %and3A, %add3A_17, %rem3A : i32
      %jit3A_19 = arith.constant 4 : i32
      %div3A = arith.divsi %add3A_2, %jit3A_19 : i32
      %sign3A = arith.constant 0 : i32
      %sign3A_20 = arith.cmpi sgt, %add3A_2, %sign3A : i32
      %sign3A_21 = arith.extui %sign3A_20 : i1 to i32
      %sign3A_22 = arith.constant 0 : i32
      %sign3A_23 = arith.cmpi slt, %add3A_2, %sign3A_22 : i32
      %sign3A_24 = arith.extui %sign3A_23 : i1 to i32
      %sign3A_25 = arith.subi %sign3A_21, %sign3A_24 : i32
      %sign3A_26 = arith.constant 0 : i32
      %sign3A_27 = arith.cmpi sgt, %jit3A_19, %sign3A_26 : i32
      %sign3A_28 = arith.extui %sign3A_27 : i1 to i32
      %sign3A_29 = arith.constant 0 : i32
      %sign3A_30 = arith.cmpi slt, %jit3A_19, %sign3A_29 : i32
      %sign3A_31 = arith.extui %sign3A_30 : i1 to i32
      %sign3A_32 = arith.subi %sign3A_28, %sign3A_31 : i32
      %ne3A_33 = arith.cmpi ne, %sign3A_25, %sign3A_32 : i32
      %rem3A_34 = arith.remsi %add3A_2, %jit3A_19 : i32
      %ne3A_35 = arith.constant 0 : i32
      %ne3A_36 = arith.cmpi ne, %rem3A_34, %ne3A_35 : i32
      %and3A_37 = arith.andi %ne3A_33, %ne3A_36 : i1
      %sub3A = arith.constant 1 : i32
      %sub3A_38 = arith.subi %div3A, %sub3A : i32
      %select_n3A_39 = arith.select %and3A_37, %sub3A_38, %div3A : i32
      %mul3A_40 = arith.constant 224 : i32
      %mul3A_41 = arith.muli %select_n3A_39, %mul3A_40 : i32
      %mul3A_42 = arith.constant 56 : i32
      %mul3A_43 = arith.muli %select_n3A_18, %mul3A_42 : i32
      %add3A_44 = arith.addi %mul3A_41, %mul3A_43 : i32
      %lt3A_45 = arith.constant 3 : i32
      %lt3A_46 = arith.cmpi slt, %select_n3A_18, %lt3A_45 : i32
      %convert_element_type3A_47 = arith.extui %lt3A_46 : i1 to i32
      %cond3A_48 = arith.constant 0 : i32
      %cond3A_49 = arith.cmpi ne, %convert_element_type3A_47, %cond3A_48 : i32
      scf.if %cond3A_49 {
        "tpu.region"() ({
          %run_scoped3A = tpu.sem_alloc : memref<!tpu.dma_semaphore, #tpu.memory_space<semaphore_mem>>
          %dma_start3A_57 = tpu.memref_slice %arg3[%add3A_44] : memref<43904xi32, #tpu.memory_space<hbm>> -> memref<56xi32, #tpu.memory_space<hbm>>
          %dma_start3A_58 = tpu.memref_slice %arg3[%add3A_44] : memref<43904xi32, #tpu.memory_space<hbm>> -> memref<56xi32, #tpu.memory_space<hbm>>
          tpu.enqueue_dma source(%dma_start3A_58 : memref<56xi32, #tpu.memory_space<hbm>>) target(%arg6 : memref<56xi32, #tpu.memory_space<vmem>>) target_semaphore(%run_scoped3A : memref<!tpu.dma_semaphore, #tpu.memory_space<semaphore_mem>>)
          %dma_wait3A = tpu.memref_slice %arg3[%add3A_44] : memref<43904xi32, #tpu.memory_space<hbm>> -> memref<56xi32, #tpu.memory_space<hbm>>
          %dma_wait3A_59 = tpu.memref_slice %arg3[%add3A_44] : memref<43904xi32, #tpu.memory_space<hbm>> -> memref<56xi32, #tpu.memory_space<hbm>>
          tpu.wait_dma2 semaphore(%run_scoped3A : memref<!tpu.dma_semaphore, #tpu.memory_space<semaphore_mem>>) src(%dma_wait3A_59 : memref<56xi32, #tpu.memory_space<hbm>>) dst(%arg6 : memref<56xi32, #tpu.memory_space<vmem>>)
          tpu.yield
        }) : () -> ()
        %dma_start3A = arith.constant 0 : i32
        %dma_start3A_55 = arith.constant 0 : i32
        %dma_start3A_56 = tpu.memref_slice %arg2[%dma_start3A, %dma_start3A_55] : memref<729x1024xf32, #tpu.memory_space<hbm>> -> memref<729x1024xf32, #tpu.memory_space<hbm>>
        tpu.enqueue_indirect_dma source(%dma_start3A_56 : memref<729x1024xf32, #tpu.memory_space<hbm>>) target(%arg8 : memref<56x1024xf32, #tpu.memory_space<vmem>>) offsets(%arg6 : memref<56xi32, #tpu.memory_space<vmem>>) semaphore(%arg10 : memref<!tpu.dma_semaphore, #tpu.memory_space<semaphore_mem>>)
      } else {
      }
      %eq3A_50 = arith.constant 3 : i32
      %eq3A_51 = arith.cmpi eq, %select_n3A_18, %eq3A_50 : i32
      %convert_element_type3A_52 = arith.extui %eq3A_51 : i1 to i32
      %cond3A_53 = arith.constant 0 : i32
      %cond3A_54 = arith.cmpi ne, %convert_element_type3A_52, %cond3A_53 : i32
      scf.if %cond3A_54 {
        "tpu.region"() ({
          %run_scoped3A = tpu.sem_alloc : memref<!tpu.dma_semaphore, #tpu.memory_space<semaphore_mem>>
          %dma_start3A_62 = arith.constant 0 : i32
          %dma_start3A_63 = tpu.memref_slice %arg6[%dma_start3A_62] : memref<56xi32, #tpu.memory_space<vmem>> -> memref<32xi32, #tpu.memory_space<vmem>>
          %dma_start3A_64 = tpu.memref_slice %arg3[%add3A_44] : memref<43904xi32, #tpu.memory_space<hbm>> -> memref<32xi32, #tpu.memory_space<hbm>>
          %dma_start3A_65 = arith.constant 0 : i32
          %dma_start3A_66 = tpu.memref_slice %arg6[%dma_start3A_65] : memref<56xi32, #tpu.memory_space<vmem>> -> memref<32xi32, #tpu.memory_space<vmem>>
          %dma_start3A_67 = tpu.memref_slice %arg3[%add3A_44] : memref<43904xi32, #tpu.memory_space<hbm>> -> memref<32xi32, #tpu.memory_space<hbm>>
          tpu.enqueue_dma source(%dma_start3A_67 : memref<32xi32, #tpu.memory_space<hbm>>) target(%dma_start3A_66 : memref<32xi32, #tpu.memory_space<vmem>>) target_semaphore(%run_scoped3A : memref<!tpu.dma_semaphore, #tpu.memory_space<semaphore_mem>>)
          %dma_wait3A = arith.constant 0 : i32
          %dma_wait3A_68 = tpu.memref_slice %arg6[%dma_wait3A] : memref<56xi32, #tpu.memory_space<vmem>> -> memref<32xi32, #tpu.memory_space<vmem>>
          %dma_wait3A_69 = tpu.memref_slice %arg3[%add3A_44] : memref<43904xi32, #tpu.memory_space<hbm>> -> memref<32xi32, #tpu.memory_space<hbm>>
          %dma_wait3A_70 = arith.constant 0 : i32
          %dma_wait3A_71 = tpu.memref_slice %arg6[%dma_wait3A_70] : memref<56xi32, #tpu.memory_space<vmem>> -> memref<32xi32, #tpu.memory_space<vmem>>
          %dma_wait3A_72 = tpu.memref_slice %arg3[%add3A_44] : memref<43904xi32, #tpu.memory_space<hbm>> -> memref<32xi32, #tpu.memory_space<hbm>>
          tpu.wait_dma2 semaphore(%run_scoped3A : memref<!tpu.dma_semaphore, #tpu.memory_space<semaphore_mem>>) src(%dma_wait3A_72 : memref<32xi32, #tpu.memory_space<hbm>>) dst(%dma_wait3A_71 : memref<32xi32, #tpu.memory_space<vmem>>)
          tpu.yield
        }) : () -> ()
        %dma_start3A = arith.constant 0 : i32
        %dma_start3A_55 = arith.constant 0 : i32
        %dma_start3A_56 = tpu.memref_slice %arg8[%dma_start3A, %dma_start3A_55] : memref<56x1024xf32, #tpu.memory_space<vmem>> -> memref<32x1024xf32, #tpu.memory_space<vmem>>
        %dma_start3A_57 = arith.constant 0 : i32
        %dma_start3A_58 = tpu.memref_slice %arg6[%dma_start3A_57] : memref<56xi32, #tpu.memory_space<vmem>> -> memref<32xi32, #tpu.memory_space<vmem>>
        %dma_start3A_59 = arith.constant 0 : i32
        %dma_start3A_60 = arith.constant 0 : i32
        %dma_start3A_61 = tpu.memref_slice %arg2[%dma_start3A_59, %dma_start3A_60] : memref<729x1024xf32, #tpu.memory_space<hbm>> -> memref<729x1024xf32, #tpu.memory_space<hbm>>
        tpu.enqueue_indirect_dma source(%dma_start3A_61 : memref<729x1024xf32, #tpu.memory_space<hbm>>) target(%dma_start3A_56 : memref<32x1024xf32, #tpu.memory_space<vmem>>) offsets(%dma_start3A_58 : memref<32xi32, #tpu.memory_space<vmem>>) semaphore(%arg10 : memref<!tpu.dma_semaphore, #tpu.memory_space<semaphore_mem>>)
      } else {
      }
    } else {
    }
    %scan3A = arith.constant 0 : i32
    %scan3A_5 = arith.constant 13 : i32
    %scan3A_6 = arith.addi %scan3A, %scan3A_5 : i32
    %scan3A_7 = arith.constant 1 : i32
    scf.for %scan3A_9 = %scan3A to %scan3A_6 step %scan3A_7  : i32 {
      %mul3A_10 = arith.constant 2 : i32
      %mul3A_11 = arith.muli %mul3A_10, %scan3A_9 : i32
      %add3A_12 = arith.constant 1 : i32
      %add3A_13 = arith.addi %mul3A_11, %add3A_12 : i32
      %mul3A_14 = arith.constant 32 : i32
      %mul3A_15 = arith.muli %mul3A_14, %add3A_13 : i32
      %add3A_16 = arith.addi %add3A, %mul3A_15 : i32
      %lt3A_17 = arith.constant 784 : i32
      %lt3A_18 = arith.cmpi slt, %add3A_16, %lt3A_17 : i32
      %convert_element_type3A_19 = arith.extui %lt3A_18 : i1 to i32
      %cond3A_20 = arith.constant 0 : i32
      %cond3A_21 = arith.cmpi ne, %convert_element_type3A_19, %cond3A_20 : i32
      scf.if %cond3A_21 {
        %jit3A = arith.constant 4 : i32
        %eq3A = arith.constant 0 : i32
        %eq3A_50 = arith.cmpi eq, %jit3A, %eq3A : i32
        %jit3A_51 = arith.constant 1 : i32
        %select_n3A = arith.select %eq3A_50, %jit3A_51, %jit3A : i32
        %rem3A = arith.remsi %add3A_16, %select_n3A : i32
        %ne3A = arith.constant 0 : i32
        %ne3A_52 = arith.cmpi ne, %rem3A, %ne3A : i32
        %lt3A_53 = arith.constant 0 : i32
        %lt3A_54 = arith.cmpi slt, %rem3A, %lt3A_53 : i32
        %lt3A_55 = arith.constant 0 : i32
        %lt3A_56 = arith.cmpi slt, %select_n3A, %lt3A_55 : i32
        %ne3A_57 = arith.xori %lt3A_54, %lt3A_56 : i1
        %and3A = arith.andi %ne3A_57, %ne3A_52 : i1
        %add3A_58 = arith.addi %rem3A, %select_n3A : i32
        %select_n3A_59 = arith.select %and3A, %add3A_58, %rem3A : i32
        %jit3A_60 = arith.constant 4 : i32
        %div3A = arith.divsi %add3A_16, %jit3A_60 : i32
        %sign3A = arith.constant 0 : i32
        %sign3A_61 = arith.cmpi sgt, %add3A_16, %sign3A : i32
        %sign3A_62 = arith.extui %sign3A_61 : i1 to i32
        %sign3A_63 = arith.constant 0 : i32
        %sign3A_64 = arith.cmpi slt, %add3A_16, %sign3A_63 : i32
        %sign3A_65 = arith.extui %sign3A_64 : i1 to i32
        %sign3A_66 = arith.subi %sign3A_62, %sign3A_65 : i32
        %sign3A_67 = arith.constant 0 : i32
        %sign3A_68 = arith.cmpi sgt, %jit3A_60, %sign3A_67 : i32
        %sign3A_69 = arith.extui %sign3A_68 : i1 to i32
        %sign3A_70 = arith.constant 0 : i32
        %sign3A_71 = arith.cmpi slt, %jit3A_60, %sign3A_70 : i32
        %sign3A_72 = arith.extui %sign3A_71 : i1 to i32
        %sign3A_73 = arith.subi %sign3A_69, %sign3A_72 : i32
        %ne3A_74 = arith.cmpi ne, %sign3A_66, %sign3A_73 : i32
        %rem3A_75 = arith.remsi %add3A_16, %jit3A_60 : i32
        %ne3A_76 = arith.constant 0 : i32
        %ne3A_77 = arith.cmpi ne, %rem3A_75, %ne3A_76 : i32
        %and3A_78 = arith.andi %ne3A_74, %ne3A_77 : i1
        %sub3A = arith.constant 1 : i32
        %sub3A_79 = arith.subi %div3A, %sub3A : i32
        %select_n3A_80 = arith.select %and3A_78, %sub3A_79, %div3A : i32
        %mul3A_81 = arith.constant 224 : i32
        %mul3A_82 = arith.muli %select_n3A_80, %mul3A_81 : i32
        %mul3A_83 = arith.constant 56 : i32
        %mul3A_84 = arith.muli %select_n3A_59, %mul3A_83 : i32
        %add3A_85 = arith.addi %mul3A_82, %mul3A_84 : i32
        %lt3A_86 = arith.constant 3 : i32
        %lt3A_87 = arith.cmpi slt, %select_n3A_59, %lt3A_86 : i32
        %convert_element_type3A_88 = arith.extui %lt3A_87 : i1 to i32
        %cond3A_89 = arith.constant 0 : i32
        %cond3A_90 = arith.cmpi ne, %convert_element_type3A_88, %cond3A_89 : i32
        scf.if %cond3A_90 {
          "tpu.region"() ({
            %run_scoped3A = tpu.sem_alloc : memref<!tpu.dma_semaphore, #tpu.memory_space<semaphore_mem>>
            %dma_start3A_98 = tpu.memref_slice %arg3[%add3A_85] : memref<43904xi32, #tpu.memory_space<hbm>> -> memref<56xi32, #tpu.memory_space<hbm>>
            %dma_start3A_99 = tpu.memref_slice %arg3[%add3A_85] : memref<43904xi32, #tpu.memory_space<hbm>> -> memref<56xi32, #tpu.memory_space<hbm>>
            tpu.enqueue_dma source(%dma_start3A_99 : memref<56xi32, #tpu.memory_space<hbm>>) target(%arg7 : memref<56xi32, #tpu.memory_space<vmem>>) target_semaphore(%run_scoped3A : memref<!tpu.dma_semaphore, #tpu.memory_space<semaphore_mem>>)
            %dma_wait3A = tpu.memref_slice %arg3[%add3A_85] : memref<43904xi32, #tpu.memory_space<hbm>> -> memref<56xi32, #tpu.memory_space<hbm>>
            %dma_wait3A_100 = tpu.memref_slice %arg3[%add3A_85] : memref<43904xi32, #tpu.memory_space<hbm>> -> memref<56xi32, #tpu.memory_space<hbm>>
            tpu.wait_dma2 semaphore(%run_scoped3A : memref<!tpu.dma_semaphore, #tpu.memory_space<semaphore_mem>>) src(%dma_wait3A_100 : memref<56xi32, #tpu.memory_space<hbm>>) dst(%arg7 : memref<56xi32, #tpu.memory_space<vmem>>)
            tpu.yield
          }) : () -> ()
          %dma_start3A = arith.constant 0 : i32
          %dma_start3A_96 = arith.constant 0 : i32
          %dma_start3A_97 = tpu.memref_slice %arg2[%dma_start3A, %dma_start3A_96] : memref<729x1024xf32, #tpu.memory_space<hbm>> -> memref<729x1024xf32, #tpu.memory_space<hbm>>
          tpu.enqueue_indirect_dma source(%dma_start3A_97 : memref<729x1024xf32, #tpu.memory_space<hbm>>) target(%arg9 : memref<56x1024xf32, #tpu.memory_space<vmem>>) offsets(%arg7 : memref<56xi32, #tpu.memory_space<vmem>>) semaphore(%arg11 : memref<!tpu.dma_semaphore, #tpu.memory_space<semaphore_mem>>)
        } else {
        }
        %eq3A_91 = arith.constant 3 : i32
        %eq3A_92 = arith.cmpi eq, %select_n3A_59, %eq3A_91 : i32
        %convert_element_type3A_93 = arith.extui %eq3A_92 : i1 to i32
        %cond3A_94 = arith.constant 0 : i32
        %cond3A_95 = arith.cmpi ne, %convert_element_type3A_93, %cond3A_94 : i32
        scf.if %cond3A_95 {
          "tpu.region"() ({
            %run_scoped3A = tpu.sem_alloc : memref<!tpu.dma_semaphore, #tpu.memory_space<semaphore_mem>>
            %dma_start3A_103 = arith.constant 0 : i32
            %dma_start3A_104 = tpu.memref_slice %arg7[%dma_start3A_103] : memref<56xi32, #tpu.memory_space<vmem>> -> memref<32xi32, #tpu.memory_space<vmem>>
            %dma_start3A_105 = tpu.memref_slice %arg3[%add3A_85] : memref<43904xi32, #tpu.memory_space<hbm>> -> memref<32xi32, #tpu.memory_space<hbm>>
            %dma_start3A_106 = arith.constant 0 : i32
            %dma_start3A_107 = tpu.memref_slice %arg7[%dma_start3A_106] : memref<56xi32, #tpu.memory_space<vmem>> -> memref<32xi32, #tpu.memory_space<vmem>>
            %dma_start3A_108 = tpu.memref_slice %arg3[%add3A_85] : memref<43904xi32, #tpu.memory_space<hbm>> -> memref<32xi32, #tpu.memory_space<hbm>>
            tpu.enqueue_dma source(%dma_start3A_108 : memref<32xi32, #tpu.memory_space<hbm>>) target(%dma_start3A_107 : memref<32xi32, #tpu.memory_space<vmem>>) target_semaphore(%run_scoped3A : memref<!tpu.dma_semaphore, #tpu.memory_space<semaphore_mem>>)
            %dma_wait3A = arith.constant 0 : i32
            %dma_wait3A_109 = tpu.memref_slice %arg7[%dma_wait3A] : memref<56xi32, #tpu.memory_space<vmem>> -> memref<32xi32, #tpu.memory_space<vmem>>
            %dma_wait3A_110 = tpu.memref_slice %arg3[%add3A_85] : memref<43904xi32, #tpu.memory_space<hbm>> -> memref<32xi32, #tpu.memory_space<hbm>>
            %dma_wait3A_111 = arith.constant 0 : i32
            %dma_wait3A_112 = tpu.memref_slice %arg7[%dma_wait3A_111] : memref<56xi32, #tpu.memory_space<vmem>> -> memref<32xi32, #tpu.memory_space<vmem>>
            %dma_wait3A_113 = tpu.memref_slice %arg3[%add3A_85] : memref<43904xi32, #tpu.memory_space<hbm>> -> memref<32xi32, #tpu.memory_space<hbm>>
            tpu.wait_dma2 semaphore(%run_scoped3A : memref<!tpu.dma_semaphore, #tpu.memory_space<semaphore_mem>>) src(%dma_wait3A_113 : memref<32xi32, #tpu.memory_space<hbm>>) dst(%dma_wait3A_112 : memref<32xi32, #tpu.memory_space<vmem>>)
            tpu.yield
          }) : () -> ()
          %dma_start3A = arith.constant 0 : i32
          %dma_start3A_96 = arith.constant 0 : i32
          %dma_start3A_97 = tpu.memref_slice %arg9[%dma_start3A, %dma_start3A_96] : memref<56x1024xf32, #tpu.memory_space<vmem>> -> memref<32x1024xf32, #tpu.memory_space<vmem>>
          %dma_start3A_98 = arith.constant 0 : i32
          %dma_start3A_99 = tpu.memref_slice %arg7[%dma_start3A_98] : memref<56xi32, #tpu.memory_space<vmem>> -> memref<32xi32, #tpu.memory_space<vmem>>
          %dma_start3A_100 = arith.constant 0 : i32
          %dma_start3A_101 = arith.constant 0 : i32
          %dma_start3A_102 = tpu.memref_slice %arg2[%dma_start3A_100, %dma_start3A_101] : memref<729x1024xf32, #tpu.memory_space<hbm>> -> memref<729x1024xf32, #tpu.memory_space<hbm>>
          tpu.enqueue_indirect_dma source(%dma_start3A_102 : memref<729x1024xf32, #tpu.memory_space<hbm>>) target(%dma_start3A_97 : memref<32x1024xf32, #tpu.memory_space<vmem>>) offsets(%dma_start3A_99 : memref<32xi32, #tpu.memory_space<vmem>>) semaphore(%arg11 : memref<!tpu.dma_semaphore, #tpu.memory_space<semaphore_mem>>)
        } else {
        }
      } else {
      }
      %mul3A_22 = arith.constant 32 : i32
      %mul3A_23 = arith.muli %mul3A_22, %mul3A_11 : i32
      %add3A_24 = arith.addi %add3A, %mul3A_23 : i32
      %lt3A_25 = arith.constant 784 : i32
      %lt3A_26 = arith.cmpi slt, %add3A_24, %lt3A_25 : i32
      %convert_element_type3A_27 = arith.extui %lt3A_26 : i1 to i32
      %cond3A_28 = arith.constant 0 : i32
      %cond3A_29 = arith.cmpi ne, %convert_element_type3A_27, %cond3A_28 : i32
      scf.if %cond3A_29 {
        %jit3A = arith.constant 4 : i32
        %div3A = arith.divsi %add3A_24, %jit3A : i32
        %sign3A = arith.constant 0 : i32
        %sign3A_50 = arith.cmpi sgt, %add3A_24, %sign3A : i32
        %sign3A_51 = arith.extui %sign3A_50 : i1 to i32
        %sign3A_52 = arith.constant 0 : i32
        %sign3A_53 = arith.cmpi slt, %add3A_24, %sign3A_52 : i32
        %sign3A_54 = arith.extui %sign3A_53 : i1 to i32
        %sign3A_55 = arith.subi %sign3A_51, %sign3A_54 : i32
        %sign3A_56 = arith.constant 0 : i32
        %sign3A_57 = arith.cmpi sgt, %jit3A, %sign3A_56 : i32
        %sign3A_58 = arith.extui %sign3A_57 : i1 to i32
        %sign3A_59 = arith.constant 0 : i32
        %sign3A_60 = arith.cmpi slt, %jit3A, %sign3A_59 : i32
        %sign3A_61 = arith.extui %sign3A_60 : i1 to i32
        %sign3A_62 = arith.subi %sign3A_58, %sign3A_61 : i32
        %ne3A = arith.cmpi ne, %sign3A_55, %sign3A_62 : i32
        %rem3A = arith.remsi %add3A_24, %jit3A : i32
        %ne3A_63 = arith.constant 0 : i32
        %ne3A_64 = arith.cmpi ne, %rem3A, %ne3A_63 : i32
        %and3A = arith.andi %ne3A, %ne3A_64 : i1
        %sub3A = arith.constant 1 : i32
        %sub3A_65 = arith.subi %div3A, %sub3A : i32
        %select_n3A = arith.select %and3A, %sub3A_65, %div3A : i32
        %jit3A_66 = arith.constant 4 : i32
        %eq3A = arith.constant 0 : i32
        %eq3A_67 = arith.cmpi eq, %jit3A_66, %eq3A : i32
        %jit3A_68 = arith.constant 1 : i32
        %select_n3A_69 = arith.select %eq3A_67, %jit3A_68, %jit3A_66 : i32
        %rem3A_70 = arith.remsi %add3A_24, %select_n3A_69 : i32
        %ne3A_71 = arith.constant 0 : i32
        %ne3A_72 = arith.cmpi ne, %rem3A_70, %ne3A_71 : i32
        %lt3A_73 = arith.constant 0 : i32
        %lt3A_74 = arith.cmpi slt, %rem3A_70, %lt3A_73 : i32
        %lt3A_75 = arith.constant 0 : i32
        %lt3A_76 = arith.cmpi slt, %select_n3A_69, %lt3A_75 : i32
        %ne3A_77 = arith.xori %lt3A_74, %lt3A_76 : i1
        %and3A_78 = arith.andi %ne3A_77, %ne3A_72 : i1
        %add3A_79 = arith.addi %rem3A_70, %select_n3A_69 : i32
        %select_n3A_80 = arith.select %and3A_78, %add3A_79, %rem3A_70 : i32
        %mul3A_81 = arith.constant 56 : i32
        %mul3A_82 = arith.muli %select_n3A_80, %mul3A_81 : i32
        %lt3A_83 = arith.constant 3 : i32
        %lt3A_84 = arith.cmpi slt, %select_n3A_80, %lt3A_83 : i32
        %convert_element_type3A_85 = arith.extui %lt3A_84 : i1 to i32
        %cond3A_86 = arith.constant 0 : i32
        %cond3A_87 = arith.cmpi ne, %convert_element_type3A_85, %cond3A_86 : i32
        scf.if %cond3A_87 {
          %dma_wait3A = arith.constant 0 : i32
          %dma_wait3A_93 = arith.constant 0 : i32
          %dma_wait3A_94 = tpu.memref_slice %arg2[%dma_wait3A, %dma_wait3A_93] : memref<729x1024xf32, #tpu.memory_space<hbm>> -> memref<729x1024xf32, #tpu.memory_space<hbm>>
          tpu.wait_indirect_dma semaphore(%arg10 : memref<!tpu.dma_semaphore, #tpu.memory_space<semaphore_mem>>) src(%dma_wait3A_94 : memref<729x1024xf32, #tpu.memory_space<hbm>>) dst(%arg8 : memref<56x1024xf32, #tpu.memory_space<vmem>>)
          "tpu.region"() ({
            %run_scoped3A = tpu.sem_alloc : memref<!tpu.dma_semaphore, #tpu.memory_space<semaphore_mem>>
            %dma_start3A = arith.constant 0 : i32
            %dma_start3A_95 = tpu.memref_slice %arg4[%select_n3A, %mul3A_82, %dma_start3A] : memref<196x196x1024xf32, #tpu.memory_space<hbm>> -> memref<1x56x1024xf32, #tpu.memory_space<hbm>>
            %dma_start3A_96 = tpu.memref_squeeze %dma_start3A_95 : memref<1x56x1024xf32, #tpu.memory_space<hbm>> -> memref<56x1024xf32, #tpu.memory_space<hbm>>
            %dma_start3A_97 = arith.constant 0 : i32
            %dma_start3A_98 = tpu.memref_slice %arg4[%select_n3A, %mul3A_82, %dma_start3A_97] : memref<196x196x1024xf32, #tpu.memory_space<hbm>> -> memref<1x56x1024xf32, #tpu.memory_space<hbm>>
            %dma_start3A_99 = tpu.memref_squeeze %dma_start3A_98 : memref<1x56x1024xf32, #tpu.memory_space<hbm>> -> memref<56x1024xf32, #tpu.memory_space<hbm>>
            tpu.enqueue_dma source(%arg8 : memref<56x1024xf32, #tpu.memory_space<vmem>>) target(%dma_start3A_99 : memref<56x1024xf32, #tpu.memory_space<hbm>>) target_semaphore(%run_scoped3A : memref<!tpu.dma_semaphore, #tpu.memory_space<semaphore_mem>>)
            %dma_wait3A_100 = arith.constant 0 : i32
            %dma_wait3A_101 = tpu.memref_slice %arg4[%select_n3A, %mul3A_82, %dma_wait3A_100] : memref<196x196x1024xf32, #tpu.memory_space<hbm>> -> memref<1x56x1024xf32, #tpu.memory_space<hbm>>
            %dma_wait3A_102 = tpu.memref_squeeze %dma_wait3A_101 : memref<1x56x1024xf32, #tpu.memory_space<hbm>> -> memref<56x1024xf32, #tpu.memory_space<hbm>>
            %dma_wait3A_103 = arith.constant 0 : i32
            %dma_wait3A_104 = tpu.memref_slice %arg4[%select_n3A, %mul3A_82, %dma_wait3A_103] : memref<196x196x1024xf32, #tpu.memory_space<hbm>> -> memref<1x56x1024xf32, #tpu.memory_space<hbm>>
            %dma_wait3A_105 = tpu.memref_squeeze %dma_wait3A_104 : memref<1x56x1024xf32, #tpu.memory_space<hbm>> -> memref<56x1024xf32, #tpu.memory_space<hbm>>
            tpu.wait_dma2 semaphore(%run_scoped3A : memref<!tpu.dma_semaphore, #tpu.memory_space<semaphore_mem>>) src(%arg8 : memref<56x1024xf32, #tpu.memory_space<vmem>>) dst(%dma_wait3A_105 : memref<56x1024xf32, #tpu.memory_space<hbm>>)
            tpu.yield
          }) : () -> ()
        } else {
        }
        %eq3A_88 = arith.constant 3 : i32
        %eq3A_89 = arith.cmpi eq, %select_n3A_80, %eq3A_88 : i32
        %convert_element_type3A_90 = arith.extui %eq3A_89 : i1 to i32
        %cond3A_91 = arith.constant 0 : i32
        %cond3A_92 = arith.cmpi ne, %convert_element_type3A_90, %cond3A_91 : i32
        scf.if %cond3A_92 {
          %dma_wait3A = arith.constant 0 : i32
          %dma_wait3A_93 = arith.constant 0 : i32
          %dma_wait3A_94 = tpu.memref_slice %arg8[%dma_wait3A, %dma_wait3A_93] : memref<56x1024xf32, #tpu.memory_space<vmem>> -> memref<32x1024xf32, #tpu.memory_space<vmem>>
          %dma_wait3A_95 = arith.constant 0 : i32
          %dma_wait3A_96 = tpu.memref_slice %arg6[%dma_wait3A_95] : memref<56xi32, #tpu.memory_space<vmem>> -> memref<32xi32, #tpu.memory_space<vmem>>
          %dma_wait3A_97 = arith.constant 0 : i32
          %dma_wait3A_98 = arith.constant 0 : i32
          %dma_wait3A_99 = tpu.memref_slice %arg2[%dma_wait3A_97, %dma_wait3A_98] : memref<729x1024xf32, #tpu.memory_space<hbm>> -> memref<729x1024xf32, #tpu.memory_space<hbm>>
          tpu.wait_indirect_dma semaphore(%arg10 : memref<!tpu.dma_semaphore, #tpu.memory_space<semaphore_mem>>) src(%dma_wait3A_99 : memref<729x1024xf32, #tpu.memory_space<hbm>>) dst(%dma_wait3A_94 : memref<32x1024xf32, #tpu.memory_space<vmem>>)
          "tpu.region"() ({
            %run_scoped3A = tpu.sem_alloc : memref<!tpu.dma_semaphore, #tpu.memory_space<semaphore_mem>>
            %dma_start3A = arith.constant 0 : i32
            %dma_start3A_100 = arith.constant 0 : i32
            %dma_start3A_101 = tpu.memref_slice %arg8[%dma_start3A, %dma_start3A_100] : memref<56x1024xf32, #tpu.memory_space<vmem>> -> memref<24x1024xf32, #tpu.memory_space<vmem>>
            %dma_start3A_102 = arith.constant 0 : i32
            %dma_start3A_103 = tpu.memref_slice %arg4[%select_n3A, %mul3A_82, %dma_start3A_102] : memref<196x196x1024xf32, #tpu.memory_space<hbm>> -> memref<1x24x1024xf32, #tpu.memory_space<hbm>>
            %dma_start3A_104 = tpu.memref_squeeze %dma_start3A_103 : memref<1x24x1024xf32, #tpu.memory_space<hbm>> -> memref<24x1024xf32, #tpu.memory_space<hbm>>
            %dma_start3A_105 = arith.constant 0 : i32
            %dma_start3A_106 = tpu.memref_slice %arg4[%select_n3A, %mul3A_82, %dma_start3A_105] : memref<196x196x1024xf32, #tpu.memory_space<hbm>> -> memref<1x24x1024xf32, #tpu.memory_space<hbm>>
            %dma_start3A_107 = tpu.memref_squeeze %dma_start3A_106 : memref<1x24x1024xf32, #tpu.memory_space<hbm>> -> memref<24x1024xf32, #tpu.memory_space<hbm>>
            %dma_start3A_108 = arith.constant 0 : i32
            %dma_start3A_109 = arith.constant 0 : i32
            %dma_start3A_110 = tpu.memref_slice %arg8[%dma_start3A_108, %dma_start3A_109] : memref<56x1024xf32, #tpu.memory_space<vmem>> -> memref<24x1024xf32, #tpu.memory_space<vmem>>
            tpu.enqueue_dma source(%dma_start3A_110 : memref<24x1024xf32, #tpu.memory_space<vmem>>) target(%dma_start3A_107 : memref<24x1024xf32, #tpu.memory_space<hbm>>) target_semaphore(%run_scoped3A : memref<!tpu.dma_semaphore, #tpu.memory_space<semaphore_mem>>)
            %dma_wait3A_111 = arith.constant 0 : i32
            %dma_wait3A_112 = arith.constant 0 : i32
            %dma_wait3A_113 = tpu.memref_slice %arg8[%dma_wait3A_111, %dma_wait3A_112] : memref<56x1024xf32, #tpu.memory_space<vmem>> -> memref<24x1024xf32, #tpu.memory_space<vmem>>
            %dma_wait3A_114 = arith.constant 0 : i32
            %dma_wait3A_115 = tpu.memref_slice %arg4[%select_n3A, %mul3A_82, %dma_wait3A_114] : memref<196x196x1024xf32, #tpu.memory_space<hbm>> -> memref<1x24x1024xf32, #tpu.memory_space<hbm>>
            %dma_wait3A_116 = tpu.memref_squeeze %dma_wait3A_115 : memref<1x24x1024xf32, #tpu.memory_space<hbm>> -> memref<24x1024xf32, #tpu.memory_space<hbm>>
            %dma_wait3A_117 = arith.constant 0 : i32
            %dma_wait3A_118 = tpu.memref_slice %arg4[%select_n3A, %mul3A_82, %dma_wait3A_117] : memref<196x196x1024xf32, #tpu.memory_space<hbm>> -> memref<1x24x1024xf32, #tpu.memory_space<hbm>>
            %dma_wait3A_119 = tpu.memref_squeeze %dma_wait3A_118 : memref<1x24x1024xf32, #tpu.memory_space<hbm>> -> memref<24x1024xf32, #tpu.memory_space<hbm>>
            %dma_wait3A_120 = arith.constant 0 : i32
            %dma_wait3A_121 = arith.constant 0 : i32
            %dma_wait3A_122 = tpu.memref_slice %arg8[%dma_wait3A_120, %dma_wait3A_121] : memref<56x1024xf32, #tpu.memory_space<vmem>> -> memref<24x1024xf32, #tpu.memory_space<vmem>>
            tpu.wait_dma2 semaphore(%run_scoped3A : memref<!tpu.dma_semaphore, #tpu.memory_space<semaphore_mem>>) src(%dma_wait3A_122 : memref<24x1024xf32, #tpu.memory_space<vmem>>) dst(%dma_wait3A_119 : memref<24x1024xf32, #tpu.memory_space<hbm>>)
            tpu.yield
          }) : () -> ()
          "tpu.region"() ({
            %run_scoped3A = tpu.sem_alloc : memref<!tpu.dma_semaphore, #tpu.memory_space<semaphore_mem>>
            %dma_start3A = arith.constant 24 : i32
            %dma_start3A_100 = arith.constant 0 : i32
            %dma_start3A_101 = tpu.memref_slice %arg8[%dma_start3A, %dma_start3A_100] : memref<56x1024xf32, #tpu.memory_space<vmem>> -> memref<8x1024xf32, #tpu.memory_space<vmem>>
            %dma_start3A_102 = arith.constant 0 : i32
            %dma_start3A_103 = arith.constant 0 : i32
            %dma_start3A_104 = tpu.memref_slice %arg5[%select_n3A, %dma_start3A_102, %dma_start3A_103] : memref<196x8x1024xf32, #tpu.memory_space<hbm>> -> memref<1x8x1024xf32, #tpu.memory_space<hbm>>
            %dma_start3A_105 = tpu.memref_squeeze %dma_start3A_104 : memref<1x8x1024xf32, #tpu.memory_space<hbm>> -> memref<8x1024xf32, #tpu.memory_space<hbm>>
            %dma_start3A_106 = arith.constant 0 : i32
            %dma_start3A_107 = arith.constant 0 : i32
            %dma_start3A_108 = tpu.memref_slice %arg5[%select_n3A, %dma_start3A_106, %dma_start3A_107] : memref<196x8x1024xf32, #tpu.memory_space<hbm>> -> memref<1x8x1024xf32, #tpu.memory_space<hbm>>
            %dma_start3A_109 = tpu.memref_squeeze %dma_start3A_108 : memref<1x8x1024xf32, #tpu.memory_space<hbm>> -> memref<8x1024xf32, #tpu.memory_space<hbm>>
            %dma_start3A_110 = arith.constant 24 : i32
            %dma_start3A_111 = arith.constant 0 : i32
            %dma_start3A_112 = tpu.memref_slice %arg8[%dma_start3A_110, %dma_start3A_111] : memref<56x1024xf32, #tpu.memory_space<vmem>> -> memref<8x1024xf32, #tpu.memory_space<vmem>>
            tpu.enqueue_dma source(%dma_start3A_112 : memref<8x1024xf32, #tpu.memory_space<vmem>>) target(%dma_start3A_109 : memref<8x1024xf32, #tpu.memory_space<hbm>>) target_semaphore(%run_scoped3A : memref<!tpu.dma_semaphore, #tpu.memory_space<semaphore_mem>>)
            %dma_wait3A_113 = arith.constant 24 : i32
            %dma_wait3A_114 = arith.constant 0 : i32
            %dma_wait3A_115 = tpu.memref_slice %arg8[%dma_wait3A_113, %dma_wait3A_114] : memref<56x1024xf32, #tpu.memory_space<vmem>> -> memref<8x1024xf32, #tpu.memory_space<vmem>>
            %dma_wait3A_116 = arith.constant 0 : i32
            %dma_wait3A_117 = arith.constant 0 : i32
            %dma_wait3A_118 = tpu.memref_slice %arg5[%select_n3A, %dma_wait3A_116, %dma_wait3A_117] : memref<196x8x1024xf32, #tpu.memory_space<hbm>> -> memref<1x8x1024xf32, #tpu.memory_space<hbm>>
            %dma_wait3A_119 = tpu.memref_squeeze %dma_wait3A_118 : memref<1x8x1024xf32, #tpu.memory_space<hbm>> -> memref<8x1024xf32, #tpu.memory_space<hbm>>
            %dma_wait3A_120 = arith.constant 0 : i32
            %dma_wait3A_121 = arith.constant 0 : i32
            %dma_wait3A_122 = tpu.memref_slice %arg5[%select_n3A, %dma_wait3A_120, %dma_wait3A_121] : memref<196x8x1024xf32, #tpu.memory_space<hbm>> -> memref<1x8x1024xf32, #tpu.memory_space<hbm>>
            %dma_wait3A_123 = tpu.memref_squeeze %dma_wait3A_122 : memref<1x8x1024xf32, #tpu.memory_space<hbm>> -> memref<8x1024xf32, #tpu.memory_space<hbm>>
            %dma_wait3A_124 = arith.constant 24 : i32
            %dma_wait3A_125 = arith.constant 0 : i32
            %dma_wait3A_126 = tpu.memref_slice %arg8[%dma_wait3A_124, %dma_wait3A_125] : memref<56x1024xf32, #tpu.memory_space<vmem>> -> memref<8x1024xf32, #tpu.memory_space<vmem>>
            tpu.wait_dma2 semaphore(%run_scoped3A : memref<!tpu.dma_semaphore, #tpu.memory_space<semaphore_mem>>) src(%dma_wait3A_126 : memref<8x1024xf32, #tpu.memory_space<vmem>>) dst(%dma_wait3A_123 : memref<8x1024xf32, #tpu.memory_space<hbm>>)
            tpu.yield
          }) : () -> ()
        } else {
        }
      } else {
      }
      %add3A_30 = arith.constant 2 : i32
      %add3A_31 = arith.addi %mul3A_11, %add3A_30 : i32
      %mul3A_32 = arith.constant 32 : i32
      %mul3A_33 = arith.muli %mul3A_32, %add3A_31 : i32
      %add3A_34 = arith.addi %add3A, %mul3A_33 : i32
      %lt3A_35 = arith.constant 784 : i32
      %lt3A_36 = arith.cmpi slt, %add3A_34, %lt3A_35 : i32
      %convert_element_type3A_37 = arith.extui %lt3A_36 : i1 to i32
      %cond3A_38 = arith.constant 0 : i32
      %cond3A_39 = arith.cmpi ne, %convert_element_type3A_37, %cond3A_38 : i32
      scf.if %cond3A_39 {
        %jit3A = arith.constant 4 : i32
        %eq3A = arith.constant 0 : i32
        %eq3A_50 = arith.cmpi eq, %jit3A, %eq3A : i32
        %jit3A_51 = arith.constant 1 : i32
        %select_n3A = arith.select %eq3A_50, %jit3A_51, %jit3A : i32
        %rem3A = arith.remsi %add3A_34, %select_n3A : i32
        %ne3A = arith.constant 0 : i32
        %ne3A_52 = arith.cmpi ne, %rem3A, %ne3A : i32
        %lt3A_53 = arith.constant 0 : i32
        %lt3A_54 = arith.cmpi slt, %rem3A, %lt3A_53 : i32
        %lt3A_55 = arith.constant 0 : i32
        %lt3A_56 = arith.cmpi slt, %select_n3A, %lt3A_55 : i32
        %ne3A_57 = arith.xori %lt3A_54, %lt3A_56 : i1
        %and3A = arith.andi %ne3A_57, %ne3A_52 : i1
        %add3A_58 = arith.addi %rem3A, %select_n3A : i32
        %select_n3A_59 = arith.select %and3A, %add3A_58, %rem3A : i32
        %jit3A_60 = arith.constant 4 : i32
        %div3A = arith.divsi %add3A_34, %jit3A_60 : i32
        %sign3A = arith.constant 0 : i32
        %sign3A_61 = arith.cmpi sgt, %add3A_34, %sign3A : i32
        %sign3A_62 = arith.extui %sign3A_61 : i1 to i32
        %sign3A_63 = arith.constant 0 : i32
        %sign3A_64 = arith.cmpi slt, %add3A_34, %sign3A_63 : i32
        %sign3A_65 = arith.extui %sign3A_64 : i1 to i32
        %sign3A_66 = arith.subi %sign3A_62, %sign3A_65 : i32
        %sign3A_67 = arith.constant 0 : i32
        %sign3A_68 = arith.cmpi sgt, %jit3A_60, %sign3A_67 : i32
        %sign3A_69 = arith.extui %sign3A_68 : i1 to i32
        %sign3A_70 = arith.constant 0 : i32
        %sign3A_71 = arith.cmpi slt, %jit3A_60, %sign3A_70 : i32
        %sign3A_72 = arith.extui %sign3A_71 : i1 to i32
        %sign3A_73 = arith.subi %sign3A_69, %sign3A_72 : i32
        %ne3A_74 = arith.cmpi ne, %sign3A_66, %sign3A_73 : i32
        %rem3A_75 = arith.remsi %add3A_34, %jit3A_60 : i32
        %ne3A_76 = arith.constant 0 : i32
        %ne3A_77 = arith.cmpi ne, %rem3A_75, %ne3A_76 : i32
        %and3A_78 = arith.andi %ne3A_74, %ne3A_77 : i1
        %sub3A = arith.constant 1 : i32
        %sub3A_79 = arith.subi %div3A, %sub3A : i32
        %select_n3A_80 = arith.select %and3A_78, %sub3A_79, %div3A : i32
        %mul3A_81 = arith.constant 224 : i32
        %mul3A_82 = arith.muli %select_n3A_80, %mul3A_81 : i32
        %mul3A_83 = arith.constant 56 : i32
        %mul3A_84 = arith.muli %select_n3A_59, %mul3A_83 : i32
        %add3A_85 = arith.addi %mul3A_82, %mul3A_84 : i32
        %lt3A_86 = arith.constant 3 : i32
        %lt3A_87 = arith.cmpi slt, %select_n3A_59, %lt3A_86 : i32
        %convert_element_type3A_88 = arith.extui %lt3A_87 : i1 to i32
        %cond3A_89 = arith.constant 0 : i32
        %cond3A_90 = arith.cmpi ne, %convert_element_type3A_88, %cond3A_89 : i32
        scf.if %cond3A_90 {
          "tpu.region"() ({
            %run_scoped3A = tpu.sem_alloc : memref<!tpu.dma_semaphore, #tpu.memory_space<semaphore_mem>>
            %dma_start3A_98 = tpu.memref_slice %arg3[%add3A_85] : memref<43904xi32, #tpu.memory_space<hbm>> -> memref<56xi32, #tpu.memory_space<hbm>>
            %dma_start3A_99 = tpu.memref_slice %arg3[%add3A_85] : memref<43904xi32, #tpu.memory_space<hbm>> -> memref<56xi32, #tpu.memory_space<hbm>>
            tpu.enqueue_dma source(%dma_start3A_99 : memref<56xi32, #tpu.memory_space<hbm>>) target(%arg6 : memref<56xi32, #tpu.memory_space<vmem>>) target_semaphore(%run_scoped3A : memref<!tpu.dma_semaphore, #tpu.memory_space<semaphore_mem>>)
            %dma_wait3A = tpu.memref_slice %arg3[%add3A_85] : memref<43904xi32, #tpu.memory_space<hbm>> -> memref<56xi32, #tpu.memory_space<hbm>>
            %dma_wait3A_100 = tpu.memref_slice %arg3[%add3A_85] : memref<43904xi32, #tpu.memory_space<hbm>> -> memref<56xi32, #tpu.memory_space<hbm>>
            tpu.wait_dma2 semaphore(%run_scoped3A : memref<!tpu.dma_semaphore, #tpu.memory_space<semaphore_mem>>) src(%dma_wait3A_100 : memref<56xi32, #tpu.memory_space<hbm>>) dst(%arg6 : memref<56xi32, #tpu.memory_space<vmem>>)
            tpu.yield
          }) : () -> ()
          %dma_start3A = arith.constant 0 : i32
          %dma_start3A_96 = arith.constant 0 : i32
          %dma_start3A_97 = tpu.memref_slice %arg2[%dma_start3A, %dma_start3A_96] : memref<729x1024xf32, #tpu.memory_space<hbm>> -> memref<729x1024xf32, #tpu.memory_space<hbm>>
          tpu.enqueue_indirect_dma source(%dma_start3A_97 : memref<729x1024xf32, #tpu.memory_space<hbm>>) target(%arg8 : memref<56x1024xf32, #tpu.memory_space<vmem>>) offsets(%arg6 : memref<56xi32, #tpu.memory_space<vmem>>) semaphore(%arg10 : memref<!tpu.dma_semaphore, #tpu.memory_space<semaphore_mem>>)
        } else {
        }
        %eq3A_91 = arith.constant 3 : i32
        %eq3A_92 = arith.cmpi eq, %select_n3A_59, %eq3A_91 : i32
        %convert_element_type3A_93 = arith.extui %eq3A_92 : i1 to i32
        %cond3A_94 = arith.constant 0 : i32
        %cond3A_95 = arith.cmpi ne, %convert_element_type3A_93, %cond3A_94 : i32
        scf.if %cond3A_95 {
          "tpu.region"() ({
            %run_scoped3A = tpu.sem_alloc : memref<!tpu.dma_semaphore, #tpu.memory_space<semaphore_mem>>
            %dma_start3A_103 = arith.constant 0 : i32
            %dma_start3A_104 = tpu.memref_slice %arg6[%dma_start3A_103] : memref<56xi32, #tpu.memory_space<vmem>> -> memref<32xi32, #tpu.memory_space<vmem>>
            %dma_start3A_105 = tpu.memref_slice %arg3[%add3A_85] : memref<43904xi32, #tpu.memory_space<hbm>> -> memref<32xi32, #tpu.memory_space<hbm>>
            %dma_start3A_106 = arith.constant 0 : i32
            %dma_start3A_107 = tpu.memref_slice %arg6[%dma_start3A_106] : memref<56xi32, #tpu.memory_space<vmem>> -> memref<32xi32, #tpu.memory_space<vmem>>
            %dma_start3A_108 = tpu.memref_slice %arg3[%add3A_85] : memref<43904xi32, #tpu.memory_space<hbm>> -> memref<32xi32, #tpu.memory_space<hbm>>
            tpu.enqueue_dma source(%dma_start3A_108 : memref<32xi32, #tpu.memory_space<hbm>>) target(%dma_start3A_107 : memref<32xi32, #tpu.memory_space<vmem>>) target_semaphore(%run_scoped3A : memref<!tpu.dma_semaphore, #tpu.memory_space<semaphore_mem>>)
            %dma_wait3A = arith.constant 0 : i32
            %dma_wait3A_109 = tpu.memref_slice %arg6[%dma_wait3A] : memref<56xi32, #tpu.memory_space<vmem>> -> memref<32xi32, #tpu.memory_space<vmem>>
            %dma_wait3A_110 = tpu.memref_slice %arg3[%add3A_85] : memref<43904xi32, #tpu.memory_space<hbm>> -> memref<32xi32, #tpu.memory_space<hbm>>
            %dma_wait3A_111 = arith.constant 0 : i32
            %dma_wait3A_112 = tpu.memref_slice %arg6[%dma_wait3A_111] : memref<56xi32, #tpu.memory_space<vmem>> -> memref<32xi32, #tpu.memory_space<vmem>>
            %dma_wait3A_113 = tpu.memref_slice %arg3[%add3A_85] : memref<43904xi32, #tpu.memory_space<hbm>> -> memref<32xi32, #tpu.memory_space<hbm>>
            tpu.wait_dma2 semaphore(%run_scoped3A : memref<!tpu.dma_semaphore, #tpu.memory_space<semaphore_mem>>) src(%dma_wait3A_113 : memref<32xi32, #tpu.memory_space<hbm>>) dst(%dma_wait3A_112 : memref<32xi32, #tpu.memory_space<vmem>>)
            tpu.yield
          }) : () -> ()
          %dma_start3A = arith.constant 0 : i32
          %dma_start3A_96 = arith.constant 0 : i32
          %dma_start3A_97 = tpu.memref_slice %arg8[%dma_start3A, %dma_start3A_96] : memref<56x1024xf32, #tpu.memory_space<vmem>> -> memref<32x1024xf32, #tpu.memory_space<vmem>>
          %dma_start3A_98 = arith.constant 0 : i32
          %dma_start3A_99 = tpu.memref_slice %arg6[%dma_start3A_98] : memref<56xi32, #tpu.memory_space<vmem>> -> memref<32xi32, #tpu.memory_space<vmem>>
          %dma_start3A_100 = arith.constant 0 : i32
          %dma_start3A_101 = arith.constant 0 : i32
          %dma_start3A_102 = tpu.memref_slice %arg2[%dma_start3A_100, %dma_start3A_101] : memref<729x1024xf32, #tpu.memory_space<hbm>> -> memref<729x1024xf32, #tpu.memory_space<hbm>>
          tpu.enqueue_indirect_dma source(%dma_start3A_102 : memref<729x1024xf32, #tpu.memory_space<hbm>>) target(%dma_start3A_97 : memref<32x1024xf32, #tpu.memory_space<vmem>>) offsets(%dma_start3A_99 : memref<32xi32, #tpu.memory_space<vmem>>) semaphore(%arg10 : memref<!tpu.dma_semaphore, #tpu.memory_space<semaphore_mem>>)
        } else {
        }
      } else {
      }
      %add3A_40 = arith.constant 1 : i32
      %add3A_41 = arith.addi %mul3A_11, %add3A_40 : i32
      %mul3A_42 = arith.constant 32 : i32
      %mul3A_43 = arith.muli %mul3A_42, %add3A_41 : i32
      %add3A_44 = arith.addi %add3A, %mul3A_43 : i32
      %lt3A_45 = arith.constant 784 : i32
      %lt3A_46 = arith.cmpi slt, %add3A_44, %lt3A_45 : i32
      %convert_element_type3A_47 = arith.extui %lt3A_46 : i1 to i32
      %cond3A_48 = arith.constant 0 : i32
      %cond3A_49 = arith.cmpi ne, %convert_element_type3A_47, %cond3A_48 : i32
      scf.if %cond3A_49 {
        %jit3A = arith.constant 4 : i32
        %div3A = arith.divsi %add3A_44, %jit3A : i32
        %sign3A = arith.constant 0 : i32
        %sign3A_50 = arith.cmpi sgt, %add3A_44, %sign3A : i32
        %sign3A_51 = arith.extui %sign3A_50 : i1 to i32
        %sign3A_52 = arith.constant 0 : i32
        %sign3A_53 = arith.cmpi slt, %add3A_44, %sign3A_52 : i32
        %sign3A_54 = arith.extui %sign3A_53 : i1 to i32
        %sign3A_55 = arith.subi %sign3A_51, %sign3A_54 : i32
        %sign3A_56 = arith.constant 0 : i32
        %sign3A_57 = arith.cmpi sgt, %jit3A, %sign3A_56 : i32
        %sign3A_58 = arith.extui %sign3A_57 : i1 to i32
        %sign3A_59 = arith.constant 0 : i32
        %sign3A_60 = arith.cmpi slt, %jit3A, %sign3A_59 : i32
        %sign3A_61 = arith.extui %sign3A_60 : i1 to i32
        %sign3A_62 = arith.subi %sign3A_58, %sign3A_61 : i32
        %ne3A = arith.cmpi ne, %sign3A_55, %sign3A_62 : i32
        %rem3A = arith.remsi %add3A_44, %jit3A : i32
        %ne3A_63 = arith.constant 0 : i32
        %ne3A_64 = arith.cmpi ne, %rem3A, %ne3A_63 : i32
        %and3A = arith.andi %ne3A, %ne3A_64 : i1
        %sub3A = arith.constant 1 : i32
        %sub3A_65 = arith.subi %div3A, %sub3A : i32
        %select_n3A = arith.select %and3A, %sub3A_65, %div3A : i32
        %jit3A_66 = arith.constant 4 : i32
        %eq3A = arith.constant 0 : i32
        %eq3A_67 = arith.cmpi eq, %jit3A_66, %eq3A : i32
        %jit3A_68 = arith.constant 1 : i32
        %select_n3A_69 = arith.select %eq3A_67, %jit3A_68, %jit3A_66 : i32
        %rem3A_70 = arith.remsi %add3A_44, %select_n3A_69 : i32
        %ne3A_71 = arith.constant 0 : i32
        %ne3A_72 = arith.cmpi ne, %rem3A_70, %ne3A_71 : i32
        %lt3A_73 = arith.constant 0 : i32
        %lt3A_74 = arith.cmpi slt, %rem3A_70, %lt3A_73 : i32
        %lt3A_75 = arith.constant 0 : i32
        %lt3A_76 = arith.cmpi slt, %select_n3A_69, %lt3A_75 : i32
        %ne3A_77 = arith.xori %lt3A_74, %lt3A_76 : i1
        %and3A_78 = arith.andi %ne3A_77, %ne3A_72 : i1
        %add3A_79 = arith.addi %rem3A_70, %select_n3A_69 : i32
        %select_n3A_80 = arith.select %and3A_78, %add3A_79, %rem3A_70 : i32
        %mul3A_81 = arith.constant 56 : i32
        %mul3A_82 = arith.muli %select_n3A_80, %mul3A_81 : i32
        %lt3A_83 = arith.constant 3 : i32
        %lt3A_84 = arith.cmpi slt, %select_n3A_80, %lt3A_83 : i32
        %convert_element_type3A_85 = arith.extui %lt3A_84 : i1 to i32
        %cond3A_86 = arith.constant 0 : i32
        %cond3A_87 = arith.cmpi ne, %convert_element_type3A_85, %cond3A_86 : i32
        scf.if %cond3A_87 {
          %dma_wait3A = arith.constant 0 : i32
          %dma_wait3A_93 = arith.constant 0 : i32
          %dma_wait3A_94 = tpu.memref_slice %arg2[%dma_wait3A, %dma_wait3A_93] : memref<729x1024xf32, #tpu.memory_space<hbm>> -> memref<729x1024xf32, #tpu.memory_space<hbm>>
          tpu.wait_indirect_dma semaphore(%arg11 : memref<!tpu.dma_semaphore, #tpu.memory_space<semaphore_mem>>) src(%dma_wait3A_94 : memref<729x1024xf32, #tpu.memory_space<hbm>>) dst(%arg9 : memref<56x1024xf32, #tpu.memory_space<vmem>>)
          "tpu.region"() ({
            %run_scoped3A = tpu.sem_alloc : memref<!tpu.dma_semaphore, #tpu.memory_space<semaphore_mem>>
            %dma_start3A = arith.constant 0 : i32
            %dma_start3A_95 = tpu.memref_slice %arg4[%select_n3A, %mul3A_82, %dma_start3A] : memref<196x196x1024xf32, #tpu.memory_space<hbm>> -> memref<1x56x1024xf32, #tpu.memory_space<hbm>>
            %dma_start3A_96 = tpu.memref_squeeze %dma_start3A_95 : memref<1x56x1024xf32, #tpu.memory_space<hbm>> -> memref<56x1024xf32, #tpu.memory_space<hbm>>
            %dma_start3A_97 = arith.constant 0 : i32
            %dma_start3A_98 = tpu.memref_slice %arg4[%select_n3A, %mul3A_82, %dma_start3A_97] : memref<196x196x1024xf32, #tpu.memory_space<hbm>> -> memref<1x56x1024xf32, #tpu.memory_space<hbm>>
            %dma_start3A_99 = tpu.memref_squeeze %dma_start3A_98 : memref<1x56x1024xf32, #tpu.memory_space<hbm>> -> memref<56x1024xf32, #tpu.memory_space<hbm>>
            tpu.enqueue_dma source(%arg9 : memref<56x1024xf32, #tpu.memory_space<vmem>>) target(%dma_start3A_99 : memref<56x1024xf32, #tpu.memory_space<hbm>>) target_semaphore(%run_scoped3A : memref<!tpu.dma_semaphore, #tpu.memory_space<semaphore_mem>>)
            %dma_wait3A_100 = arith.constant 0 : i32
            %dma_wait3A_101 = tpu.memref_slice %arg4[%select_n3A, %mul3A_82, %dma_wait3A_100] : memref<196x196x1024xf32, #tpu.memory_space<hbm>> -> memref<1x56x1024xf32, #tpu.memory_space<hbm>>
            %dma_wait3A_102 = tpu.memref_squeeze %dma_wait3A_101 : memref<1x56x1024xf32, #tpu.memory_space<hbm>> -> memref<56x1024xf32, #tpu.memory_space<hbm>>
            %dma_wait3A_103 = arith.constant 0 : i32
            %dma_wait3A_104 = tpu.memref_slice %arg4[%select_n3A, %mul3A_82, %dma_wait3A_103] : memref<196x196x1024xf32, #tpu.memory_space<hbm>> -> memref<1x56x1024xf32, #tpu.memory_space<hbm>>
            %dma_wait3A_105 = tpu.memref_squeeze %dma_wait3A_104 : memref<1x56x1024xf32, #tpu.memory_space<hbm>> -> memref<56x1024xf32, #tpu.memory_space<hbm>>
            tpu.wait_dma2 semaphore(%run_scoped3A : memref<!tpu.dma_semaphore, #tpu.memory_space<semaphore_mem>>) src(%arg9 : memref<56x1024xf32, #tpu.memory_space<vmem>>) dst(%dma_wait3A_105 : memref<56x1024xf32, #tpu.memory_space<hbm>>)
            tpu.yield
          }) : () -> ()
        } else {
        }
        %eq3A_88 = arith.constant 3 : i32
        %eq3A_89 = arith.cmpi eq, %select_n3A_80, %eq3A_88 : i32
        %convert_element_type3A_90 = arith.extui %eq3A_89 : i1 to i32
        %cond3A_91 = arith.constant 0 : i32
        %cond3A_92 = arith.cmpi ne, %convert_element_type3A_90, %cond3A_91 : i32
        scf.if %cond3A_92 {
          %dma_wait3A = arith.constant 0 : i32
          %dma_wait3A_93 = arith.constant 0 : i32
          %dma_wait3A_94 = tpu.memref_slice %arg9[%dma_wait3A, %dma_wait3A_93] : memref<56x1024xf32, #tpu.memory_space<vmem>> -> memref<32x1024xf32, #tpu.memory_space<vmem>>
          %dma_wait3A_95 = arith.constant 0 : i32
          %dma_wait3A_96 = tpu.memref_slice %arg7[%dma_wait3A_95] : memref<56xi32, #tpu.memory_space<vmem>> -> memref<32xi32, #tpu.memory_space<vmem>>
          %dma_wait3A_97 = arith.constant 0 : i32
          %dma_wait3A_98 = arith.constant 0 : i32
          %dma_wait3A_99 = tpu.memref_slice %arg2[%dma_wait3A_97, %dma_wait3A_98] : memref<729x1024xf32, #tpu.memory_space<hbm>> -> memref<729x1024xf32, #tpu.memory_space<hbm>>
          tpu.wait_indirect_dma semaphore(%arg11 : memref<!tpu.dma_semaphore, #tpu.memory_space<semaphore_mem>>) src(%dma_wait3A_99 : memref<729x1024xf32, #tpu.memory_space<hbm>>) dst(%dma_wait3A_94 : memref<32x1024xf32, #tpu.memory_space<vmem>>)
          "tpu.region"() ({
            %run_scoped3A = tpu.sem_alloc : memref<!tpu.dma_semaphore, #tpu.memory_space<semaphore_mem>>
            %dma_start3A = arith.constant 0 : i32
            %dma_start3A_100 = arith.constant 0 : i32
            %dma_start3A_101 = tpu.memref_slice %arg9[%dma_start3A, %dma_start3A_100] : memref<56x1024xf32, #tpu.memory_space<vmem>> -> memref<24x1024xf32, #tpu.memory_space<vmem>>
            %dma_start3A_102 = arith.constant 0 : i32
            %dma_start3A_103 = tpu.memref_slice %arg4[%select_n3A, %mul3A_82, %dma_start3A_102] : memref<196x196x1024xf32, #tpu.memory_space<hbm>> -> memref<1x24x1024xf32, #tpu.memory_space<hbm>>
            %dma_start3A_104 = tpu.memref_squeeze %dma_start3A_103 : memref<1x24x1024xf32, #tpu.memory_space<hbm>> -> memref<24x1024xf32, #tpu.memory_space<hbm>>
            %dma_start3A_105 = arith.constant 0 : i32
            %dma_start3A_106 = tpu.memref_slice %arg4[%select_n3A, %mul3A_82, %dma_start3A_105] : memref<196x196x1024xf32, #tpu.memory_space<hbm>> -> memref<1x24x1024xf32, #tpu.memory_space<hbm>>
            %dma_start3A_107 = tpu.memref_squeeze %dma_start3A_106 : memref<1x24x1024xf32, #tpu.memory_space<hbm>> -> memref<24x1024xf32, #tpu.memory_space<hbm>>
            %dma_start3A_108 = arith.constant 0 : i32
            %dma_start3A_109 = arith.constant 0 : i32
            %dma_start3A_110 = tpu.memref_slice %arg9[%dma_start3A_108, %dma_start3A_109] : memref<56x1024xf32, #tpu.memory_space<vmem>> -> memref<24x1024xf32, #tpu.memory_space<vmem>>
            tpu.enqueue_dma source(%dma_start3A_110 : memref<24x1024xf32, #tpu.memory_space<vmem>>) target(%dma_start3A_107 : memref<24x1024xf32, #tpu.memory_space<hbm>>) target_semaphore(%run_scoped3A : memref<!tpu.dma_semaphore, #tpu.memory_space<semaphore_mem>>)
            %dma_wait3A_111 = arith.constant 0 : i32
            %dma_wait3A_112 = arith.constant 0 : i32
            %dma_wait3A_113 = tpu.memref_slice %arg9[%dma_wait3A_111, %dma_wait3A_112] : memref<56x1024xf32, #tpu.memory_space<vmem>> -> memref<24x1024xf32, #tpu.memory_space<vmem>>
            %dma_wait3A_114 = arith.constant 0 : i32
            %dma_wait3A_115 = tpu.memref_slice %arg4[%select_n3A, %mul3A_82, %dma_wait3A_114] : memref<196x196x1024xf32, #tpu.memory_space<hbm>> -> memref<1x24x1024xf32, #tpu.memory_space<hbm>>
            %dma_wait3A_116 = tpu.memref_squeeze %dma_wait3A_115 : memref<1x24x1024xf32, #tpu.memory_space<hbm>> -> memref<24x1024xf32, #tpu.memory_space<hbm>>
            %dma_wait3A_117 = arith.constant 0 : i32
            %dma_wait3A_118 = tpu.memref_slice %arg4[%select_n3A, %mul3A_82, %dma_wait3A_117] : memref<196x196x1024xf32, #tpu.memory_space<hbm>> -> memref<1x24x1024xf32, #tpu.memory_space<hbm>>
            %dma_wait3A_119 = tpu.memref_squeeze %dma_wait3A_118 : memref<1x24x1024xf32, #tpu.memory_space<hbm>> -> memref<24x1024xf32, #tpu.memory_space<hbm>>
            %dma_wait3A_120 = arith.constant 0 : i32
            %dma_wait3A_121 = arith.constant 0 : i32
            %dma_wait3A_122 = tpu.memref_slice %arg9[%dma_wait3A_120, %dma_wait3A_121] : memref<56x1024xf32, #tpu.memory_space<vmem>> -> memref<24x1024xf32, #tpu.memory_space<vmem>>
            tpu.wait_dma2 semaphore(%run_scoped3A : memref<!tpu.dma_semaphore, #tpu.memory_space<semaphore_mem>>) src(%dma_wait3A_122 : memref<24x1024xf32, #tpu.memory_space<vmem>>) dst(%dma_wait3A_119 : memref<24x1024xf32, #tpu.memory_space<hbm>>)
            tpu.yield
          }) : () -> ()
          "tpu.region"() ({
            %run_scoped3A = tpu.sem_alloc : memref<!tpu.dma_semaphore, #tpu.memory_space<semaphore_mem>>
            %dma_start3A = arith.constant 24 : i32
            %dma_start3A_100 = arith.constant 0 : i32
            %dma_start3A_101 = tpu.memref_slice %arg9[%dma_start3A, %dma_start3A_100] : memref<56x1024xf32, #tpu.memory_space<vmem>> -> memref<8x1024xf32, #tpu.memory_space<vmem>>
            %dma_start3A_102 = arith.constant 0 : i32
            %dma_start3A_103 = arith.constant 0 : i32
            %dma_start3A_104 = tpu.memref_slice %arg5[%select_n3A, %dma_start3A_102, %dma_start3A_103] : memref<196x8x1024xf32, #tpu.memory_space<hbm>> -> memref<1x8x1024xf32, #tpu.memory_space<hbm>>
            %dma_start3A_105 = tpu.memref_squeeze %dma_start3A_104 : memref<1x8x1024xf32, #tpu.memory_space<hbm>> -> memref<8x1024xf32, #tpu.memory_space<hbm>>
            %dma_start3A_106 = arith.constant 0 : i32
            %dma_start3A_107 = arith.constant 0 : i32
            %dma_start3A_108 = tpu.memref_slice %arg5[%select_n3A, %dma_start3A_106, %dma_start3A_107] : memref<196x8x1024xf32, #tpu.memory_space<hbm>> -> memref<1x8x1024xf32, #tpu.memory_space<hbm>>
            %dma_start3A_109 = tpu.memref_squeeze %dma_start3A_108 : memref<1x8x1024xf32, #tpu.memory_space<hbm>> -> memref<8x1024xf32, #tpu.memory_space<hbm>>
            %dma_start3A_110 = arith.constant 24 : i32
            %dma_start3A_111 = arith.constant 0 : i32
            %dma_start3A_112 = tpu.memref_slice %arg9[%dma_start3A_110, %dma_start3A_111] : memref<56x1024xf32, #tpu.memory_space<vmem>> -> memref<8x1024xf32, #tpu.memory_space<vmem>>
            tpu.enqueue_dma source(%dma_start3A_112 : memref<8x1024xf32, #tpu.memory_space<vmem>>) target(%dma_start3A_109 : memref<8x1024xf32, #tpu.memory_space<hbm>>) target_semaphore(%run_scoped3A : memref<!tpu.dma_semaphore, #tpu.memory_space<semaphore_mem>>)
            %dma_wait3A_113 = arith.constant 24 : i32
            %dma_wait3A_114 = arith.constant 0 : i32
            %dma_wait3A_115 = tpu.memref_slice %arg9[%dma_wait3A_113, %dma_wait3A_114] : memref<56x1024xf32, #tpu.memory_space<vmem>> -> memref<8x1024xf32, #tpu.memory_space<vmem>>
            %dma_wait3A_116 = arith.constant 0 : i32
            %dma_wait3A_117 = arith.constant 0 : i32
            %dma_wait3A_118 = tpu.memref_slice %arg5[%select_n3A, %dma_wait3A_116, %dma_wait3A_117] : memref<196x8x1024xf32, #tpu.memory_space<hbm>> -> memref<1x8x1024xf32, #tpu.memory_space<hbm>>
            %dma_wait3A_119 = tpu.memref_squeeze %dma_wait3A_118 : memref<1x8x1024xf32, #tpu.memory_space<hbm>> -> memref<8x1024xf32, #tpu.memory_space<hbm>>
            %dma_wait3A_120 = arith.constant 0 : i32
            %dma_wait3A_121 = arith.constant 0 : i32
            %dma_wait3A_122 = tpu.memref_slice %arg5[%select_n3A, %dma_wait3A_120, %dma_wait3A_121] : memref<196x8x1024xf32, #tpu.memory_space<hbm>> -> memref<1x8x1024xf32, #tpu.memory_space<hbm>>
            %dma_wait3A_123 = tpu.memref_squeeze %dma_wait3A_122 : memref<1x8x1024xf32, #tpu.memory_space<hbm>> -> memref<8x1024xf32, #tpu.memory_space<hbm>>
            %dma_wait3A_124 = arith.constant 24 : i32
            %dma_wait3A_125 = arith.constant 0 : i32
            %dma_wait3A_126 = tpu.memref_slice %arg9[%dma_wait3A_124, %dma_wait3A_125] : memref<56x1024xf32, #tpu.memory_space<vmem>> -> memref<8x1024xf32, #tpu.memory_space<vmem>>
            tpu.wait_dma2 semaphore(%run_scoped3A : memref<!tpu.dma_semaphore, #tpu.memory_space<semaphore_mem>>) src(%dma_wait3A_126 : memref<8x1024xf32, #tpu.memory_space<vmem>>) dst(%dma_wait3A_123 : memref<8x1024xf32, #tpu.memory_space<hbm>>)
            tpu.yield
          }) : () -> ()
        } else {
        }
      } else {
      }
    }
    %scan3A_8 = arith.constant 13 : i32
    return
  }
}

</mosaic_0001>

<sc_bundles>
// kernel: kernel.3.cloned.1.call-start
scs
__scs_entry_jumppad:
0x0: {  	(pc) =	sbr.rel $0x88, $3  }
0x1: {  	(tag) =	ssettag $0x0;
	lr =	simm.s32 $0x1  }
0x2: {  	[smem:$0x3F9F] =	sst lr;
	_ =	strace $0xD0000000  }
0x3: {  	_ = 	snop  }
0x4: {  	_ = 	snop  }
0x5: {  	_ = 	snop  }
0x6: {  	_ = 	snop  }
0x7: {  	_ = 	snop  }
__scs_overlays_trampoline_lowered:
0x8: {  	[smem:$0x3FAE] =	sst s0  }
0x9: {  	[smem:$0x3FAF] =	sst s1  }
0xa: {  	[smem:$0x3FB0] =	sst s2  }
0xb: {  	[smem:$0x3FB1] =	sst s3  }
0xc: {  	[smem:$0x3FB2] =	sst s4  }
0xd: {  	[smem:$0x3FB3] =	sst s5  }
0xe: {  	[smem:$0x3FB4] =	sst s6  }
0xf: {  	[smem:$0x3FB5] =	sst s7  }
0x10: {  	[smem:$0x3FB6] =	sst s8  }
0x11: {  	[smem:$0x3FB7] =	sst s9;
	s0 =	simm.s32 @!p0 $0x0  }
0x12: {  	s1 =	sld [smem:$0x3F9D];
	s0 =	simm.s32 @p0 $0x1  }
0x13: {  	[smem:$0x3FB8] =	sst s0;
	s0 =	simm.s32 @!p1 $0x0  }
0x14: {  	s2 =	sld [smem:$0x3F9C];
	s0 =	simm.s32 @p1 $0x1  }
0x15: {  	[smem:$0x3FB9] =	sst s0;
	s0 =	simm.s32 @!p2 $0x0  }
0x16: {  	s3 =	sld [smem:$0x3FDB];
	s0 =	simm.s32 @p2 $0x1  }
0x17: {  	s4 =	simm.s32 $0x1BF5;
	[smem:$0x3FBB] =	sst s0  }
0x18: {  	s0 =	sld [smem:$0x3F9E];
	_ =	swait.ge [sflag:s4], $0x0  }
0x19: {  	s7 =	sld [smem:$0x3F9F]  }
0x1a: {  	s8 =	sadd.s32 $0xFFFFE003, lr  }
0x1b: {  	s9 =	sadd.s32 $0xFFFFFEF7, lr;
	s5 =	simm.s32 $0xFFFFFFFF;
	p2 =	slt.u32 s8, $0xFFFFF086  }
0x1c: {  	p1 =	slt.u32 s9, $0xF7A;
	s5 =	simm.s32 @!p2 $0x0  }
0x1d: {  	s5 =	simm.s32 @p1 $0x1;
	p0 =	seq.s32 s7, s2  }
0x1e: {  	s7 =	smul.u32 @!p0 $0xF7A, s2;
	p2 =	seq.s32 @!p0 s5, $0x0  }
0x1f: {  	s9 =	smul.u32 $0xF7A, s1;
	s8 =	simm.s32 @!p0 $0x1BF5;
	p2 =	por !p2, p0  }
0x20: {  	[sflag:s8] =	ssyncset.s32 @!p0 $0xFFFFF086;
	s6 =	sadd.s32 @!p0 s3, s7;
	s7 =	simm.s32 @!p0 $0x108  }
0x21: {  	s3 =	sadd.s32 s3, s9;
	s6 =	sadd.s32 @!p0 $0x88, s6;
	s7 =	simm.s32 @p2 $0x1082  }
0x22: {  	[simem:s7], [sflag:s8] =	dma.local @!p0 [hbm:s6], $0xF7A  }
0x23: {  	s9 =	sor.u32 $0xD0000000, s2;
	s6 =	simm.s32 $0x108;
	_ =	swait.ge @!p0 [sflag:s8], $0x0  }
0x24: {  	s3 =	sadd.s32 $0x88, s3;
	s6 =	simm.s32 @!p1 $0x1082;
	[sflag:s4] =	ssyncset.s32 $0xFFFFF086  }
0x25: {  	[simem:s6], [sflag:s4] =	dma.local [hbm:s3], $0xF7A  }
0x26: {  	[smem:$0x3F9F] =	sst s1;
	(tag) =	ssettag s2;
	_ =	strace s9  }
0x27: {  	s1 =	sld [smem:$0x3FAF]  }
0x28: {  	s2 =	sld [smem:$0x3FB0]  }
0x29: {  	s4 =	sld [smem:$0x3FB2]  }
0x2a: {  	p0 =	seq.s32 s5, $0x0;
	s5 =	sld [smem:$0x3FB3]  }
0x2b: {  	s6 =	sld [smem:$0x3FB4]  }
0x2c: {  	s7 =	sld [smem:$0x3FB5]  }
0x2d: {  	s3 =	simm.s32 $0x108;
	s8 =	sld [smem:$0x3FB6]  }
0x2e: {  	s3 =	simm.s32 @!p0 $0x1082;
	s9 =	sld [smem:$0x3FB7]  }
0x2f: {  	lr =	sadd.s32 s0, s3;
	s0 =	sld [smem:$0x3FAE]  }
0x30: {  	s3 =	sld [smem:$0x3FB1]  }
0x31: {  	[smem:$0x3FBA] =	sst s10  }
0x32: {  	s10 =	sld [smem:$0x3FB8];
	_ =	sdelay $0x3  }
0x33: {  	p0 =	seq.s32 s10, $0x1;
	s10 =	sld [smem:$0x3FBA];
	_ =	sdelay $0x3  }
0x34: {  	[smem:$0x3FBA] =	sst s10  }
0x35: {  	s10 =	sld [smem:$0x3FB9];
	_ =	sdelay $0x3  }
0x36: {  	p1 =	seq.s32 s10, $0x1;
	s10 =	sld [smem:$0x3FBA];
	_ =	sdelay $0x3  }
0x37: {  	[smem:$0x3FBA] =	sst s10  }
0x38: {  	s10 =	sld [smem:$0x3FBB]  }
0x39: {  	_ = 	snop;
	(pc) =	sbr.ind lr, $3  }
0x3a: {  	_ = 	snop  }
0x3b: {  	_ = 	snop  }
0x3c: {  	p2 =	seq.s32 s10, $0x1;
	s10 =	sld [smem:$0x3FBA]  }
0x3d: {  	_ =	shalt  }
0x3e: {  	_ =	shalt  }
0x3f: {  	_ =	shalt  }
0x40: {  	_ =	shalt  }
0x41: {  	_ =	shalt  }
0x42: {  	_ =	shalt  }
0x43: {  	_ =	shalt  }
0x44: {  	_ =	shalt  }
0x45: {  	_ =	shalt  }
0x46: {  	_ =	shalt  }
0x47: {  	_ =	shalt  }
0x48: {  	_ =	shalt  }
0x49: {  	_ =	shalt  }
0x4a: {  	_ =	shalt  }
0x4b: {  	_ =	shalt  }
0x4c: {  	_ =	shalt  }
0x4d: {  	_ =	shalt  }
0x4e: {  	_ =	shalt  }
0x4f: {  	_ =	shalt  }
0x50: {  	_ =	shalt  }
0x51: {  	_ =	shalt  }
0x52: {  	_ =	shalt  }
0x53: {  	_ =	shalt  }
0x54: {  	_ =	shalt  }
0x55: {  	_ =	shalt  }
0x56: {  	_ =	shalt  }
0x57: {  	_ =	shalt  }
0x58: {  	_ =	shalt  }
0x59: {  	_ =	shalt  }
0x5a: {  	_ =	shalt  }
0x5b: {  	_ =	shalt  }
0x5c: {  	_ =	shalt  }
0x5d: {  	_ =	shalt  }
0x5e: {  	_ =	shalt  }
0x5f: {  	_ =	shalt  }
0x60: {  	_ =	shalt  }
0x61: {  	_ =	shalt  }
0x62: {  	_ =	shalt  }
0x63: {  	_ =	shalt  }
0x64: {  	_ =	shalt  }
0x65: {  	_ =	shalt  }
0x66: {  	_ =	shalt  }
0x67: {  	_ =	shalt  }
0x68: {  	_ =	shalt  }
0x69: {  	_ =	shalt  }
0x6a: {  	_ =	shalt  }
0x6b: {  	_ =	shalt  }
0x6c: {  	_ =	shalt  }
0x6d: {  	_ =	shalt  }
0x6e: {  	_ =	shalt  }
0x6f: {  	_ =	shalt  }
0x70: {  	_ =	shalt  }
0x71: {  	_ =	shalt  }
0x72: {  	_ =	shalt  }
0x73: {  	_ =	shalt  }
0x74: {  	_ =	shalt  }
0x75: {  	_ =	shalt  }
0x76: {  	_ =	shalt  }
0x77: {  	_ =	shalt  }
0x78: {  	_ =	shalt  }
0x79: {  	_ =	shalt  }
0x7a: {  	_ =	shalt  }
0x7b: {  	_ =	shalt  }
0x7c: {  	_ =	shalt  }
0x7d: {  	_ =	shalt  }
0x7e: {  	_ =	shalt  }
0x7f: {  	_ =	shalt  }
0x80: {  	_ =	shalt  }
0x81: {  	_ =	shalt  }
0x82: {  	_ =	shalt  }
0x83: {  	_ =	shalt  }
0x84: {  	_ =	shalt  }
0x85: {  	_ =	shalt  }
0x86: {  	_ =	shalt  }
0x87: {  	_ =	shalt  }
.Lfunc_end0:
.L_simem_size_0:
called_computation.1_lowered:
.L_overlay_start_0:
0x88: {  	s2 =	sld [smem:$0x3FD9]  }
0x89: {  	s3 =	sld [smem:$0x3FFE];
	_ =	sdelay $0x1  }
0x8a: {  	s1 =	srdreg.scid  }
0x8b: {  	s0 =	sand.u32 $0x1, s1  }
0x8c: {  	s17 =	sshll.u32 s0, $0xA;
	s2 =	sadd.s32 s3, s2  }
0x8d: {  	s2 =	sadd.s32 s2, s17  }
0x8e: {  	[smem:$0x3FC6] =	sst s2  }
0x8f: {  	_ = 	snop  }
0x90: {  	s2 =	sld [smem:$0x3FD0];
	(tm) =	ssettm $0x1  }
0x91: {  	s18 =	sld [smem:$0x3FFB];
	_ =	sdelay $0x3  }
0x92: {  	_ =	strace s18  }
0x93: {  	s3 =	sld [smem:$0x3FFC];
	_ =	sdelay $0x3  }
0x94: {  	_ =	strace s3  }
0x95: {  	s3 =	sld [smem:$0x3FFD];
	_ =	sdelay $0x3  }
0x96: {  	_ =	strace s3  }
0x97: {  	_ =	strace $0x8FFFFFFF  }
0x98: {  	s19 =	sld [smem:$0x3FDB];
	_ =	sdelay $0x1  }
0x99: {  	s4 =	simm.s32 $_scs_section_size  }
0x9a: {  	s5 =	simm.s32 $_size__tile_overlayer_lowered;
	s6 =	simm.s32 $_tile_overlayer_lowered  }
0x9b: {  	s22 =	simm.s32 $0x1BFF;
	s21 =	sshll.u32 s6, $0x1;
	s3 =	sadd.s32 s4, s19  }
0x9c: {  	s7 =	simm.s32 $0x0;
	s20 =	sshll.u32 s5, $0x1;
	s5 =	sadd.s32 s21, s3  }
0x9d: {  	[timem:s7], [sflag:s22] =	dma.local [hbm:s5], s20  }
0x9e: {  	_ =	swait.ge [sflag:s22], s20  }
0x9f: {  	s4 =	ssub.s32 $0x0, s20;
	[sflag:s22] =	ssyncset.done $0x0  }
0xa0: {  	[sflag:s22] =	ssyncadd.s32 s4;
	_ =	sdelay $0x1  }
0xa1: {  	s23 =	simm.s32 $0x1B8B  }
0xa2: {  	_ =	swait.ge [sflag:s23], $0x1  }
0xa3: {  	[sflag:s23] =	ssyncset.done $0x0  }
0xa4: {  	s25 =	simm.s32 $0x1B8E;
	s24 =	sld [smem:$0x3FFE];
	[sflag:s23] =	ssyncadd.s32 $0xFFFFFFFF  }
0xa5: {  	s26 =	simm.s32 $execute0_lowered;
	[smem:$0x3FD2] =	sst s25  }
0xa6: {  	s5 =	sshll.u32 s26, $0x1;
	_ =	strace $0x80000046;
	[dreg:$0x1] =	wrdreg $0xFFFFFFFF  }
0xa7: {  	s28 =	simm.s32 $_size_execute0_lowered;
	s3 =	sadd.s32 s3, s5;
	[dreg:$0x0] =	wrdreg $0x0  }
0xa8: {  	s5 =	sshll.u32 s28, $0x1;
	[dreg:$0x2] =	wrdreg s3  }
0xa9: {  	[dreg:$0x3] =	wrdreg s5  }
0xaa: {  	[dreg:$0x4] =	wrdreg $0xC0  }
0xab: {  	_ =	task [dreg:s7], $0x5FFFF  }
0xac: {  	[dreg:$0x1] =	wrdreg $0xFFFFFFFF  }
0xad: {  	[dreg:$0x0] =	wrdreg $0x60  }
0xae: {  	[dreg:$0x2] =	wrdreg s24  }
0xaf: {  	[dreg:$0x3] =	wrdreg s2  }
0xb0: {  	[dreg:$0x4] =	wrdreg $0x9  }
0xb1: {  	_ =	task.clear_ibuf [dreg:s7], $0x5FFFF;
	_ =	strace $0x90000046  }
0xb2: {  	s29 =	simm.s32 $0x9;
	_ =	strace $0x80000048  }
0xb3: {  	_ =	swait.ge [sflag:s29], $0x1  }
0xb4: {  	[sflag:s29] =	ssyncadd.s32 $0xFFFFFFFF  }
0xb5: {  	_ =	strace $0x90000048  }
0xb6: {  	_ =	sfence  }
0xb7: {  	s30 =	sld [smem:$0x0];
	_ =	sdelay $0x2  }
0xb8: {  	s31 =	sshll.u32 s1, $0xD;
	s1 =	sshrl.u32 s1, $0x2  }
0xb9: {  	s3 =	sand.u32 $0x4000, s31;
	s1 =	sadd.s32 s1, s30  }
0xba: {  	s0 =	sor.u32 s3, s0;
	s1 =	sshll.u32 s1, $0x11  }
0xbb: {  	s0 =	sor.u32 s1, s0  }
0xbc: {  	s0 =	sadd.s32 $0x8F2B, s0  }
0xbd: {  	[sflag:s0] =	ssyncadd.remote.s32 $0x1  }
0xbe: {  	_ =	sfence.sel $0xFFFF  }
0xbf: {  	[dreg:$0x0] =	wrdreg $0xFFFFFFFF;
	(pc) =	sbr.abs _section_cstart, $3  }
0xc0: {  	[dreg:$0x1] =	wrdreg $0xFFFFFFFF  }
0xc1: {  	_ =	task.clear_ibuf [dreg:s7], $0x2FFFF;
	_ =	strace $0x9FFFFFFF  }
0xc2: {  	(tm) =	ssettm $0x7FFFFFFF  }
0xc3: {  	_ =	shalt  }
tec
execute0_lowered:
.L_overlay_start_1:
0x0: {  	(tag) =	ssettag $0x1  }
0x1: {  	s0 =	rddreg [dreg:$0x0];
	s1 =	srdreg.scid  }
0x2: {  	s15 =	stileid.u32;
	s2 =	rddreg [dreg:$0x1];
	s3 =	simm.s32 $0x0  }
0x3: {  	s18 =	simm.s32 $0x15100;
	s1 =	sand.u32 $0x1, s1;
	s5 =	sshll.u32 s15, $0x1  }
0x4: {  	s6 =	sshrl.u32 s15, $0x1;
	[smem:$0x7FF] =	sst s3;
	s7 =	sadd.s32 $0xC00, s0  }
0x5: {  	s12 =	sadd.s32 $0x2300, s0;
	s13 =	sadd.s32 $0x2400, s0;
	s22 =	smul.u32 $0x3200, s15  }
0x6: {  	s14 =	sadd.s32 $0x2500, s0;
	s4 =	sor.u32 s1, s5;
	s8 =	smul.u32 $0xE0, s6  }
0x7: {  	s6 =	sadd.s32 $0x2200, s0;
	s9 =	ssub.s32 $0x2, s1;
	s20 =	sshrl.u32 s5, $0x2  }
0x8: {  	s1 =	smul.u32 $0x1900, s1;
	[dreg:$0x3] =	wrdreg s4;
	s4 =	sand.u32 $0x3, s4  }
0x9: {  	s10 =	sshrl.u32 s9, $0x1;
	s5 =	smul.u32 $0x6400, s20;
	s23 =	sshll.u32 s20, $0xA  }
0xa: {  	s16 =	smul.u32 $0x38, s4;
	_ =	strace $0x80000047;
	s9 =	ssub.s32 s9, s10  }
0xb: {  	[dreg:$0x6] =	wrdreg s20;
	p0 =	seq.s32 s4, $0x3;
	p1 =	sne.s32 s4, $0x0  }
0xc: {  	p2 =	sne.s32 s4, $0x3;
	s21 =	smax.u32 s9, $0x1;
	s9 =	sadd.s32 s23, s2  }
0xd: {  	s23 =	simm.s32 $0x14900;
	s11 =	sadd.s32 s8, s16;
	[dreg:$0x7] =	wrdreg s21  }
0xe: {  	s8 =	sadd.s32 $0x19200, s0;
	[dreg:$0x8] =	wrdreg s9;
	s0 =	sadd.s32 s1, s22  }
0xf: {  	[dreg:$0x4] =	wrdreg s16;
	s19 =	sshrl.u32 s11, $0x3;
	s11 =	sor.u32 $0x8, s20  }
0x10: {  	s22 =	simm.s32 $0x13900;
	s5 =	sadd.s32 s5, s8;
	s24 =	smul.u32 $0x32000, s11  }
0x11: {  	[dreg:$0x9] =	wrdreg s0;
	s10 =	sadd.s32 s7, s19;
	s25 =	smul.u32 $0xE0, s11  }
0x12: {  	s17 =	sadd.s32 $0x5400, s5;
	s26 =	sshll.u32 s11, $0xA;
	s29 =	smul.u32 $0x6400, s11  }
0x13: {  	s19 =	simm.s32 $0x6100;
	s5 =	simm.s32 $0x4;
	s11 =	simm.s32 $0x14100  }
0x14: {  	[dreg:$0x5] =	wrdreg s10;
	s10 =	smul.u32 $0xE000, s4;
	s1 =	sadd.s32 s26, s2  }
.Ltmp0:
0x15: {  	s2 =	simm.s32 $0x15900;
	[dreg:$0xa] =	wrdreg s1;
	(pc) =	sbr.rel .LBB2_1-.Ltmp0, $4  }
0x16: {  	s0 =	sadd.s32 s16, s25;
	s31 =	sadd.s32 s29, s8;
	s25 =	simm.s32 $0x1  }
0x17: {  	v2 =	vlaneseq.u32;
	s1 =	simm.s32 $0x0;
	s28 =	sadd.s32 s10, s24;
	s0 =	sshrl.u32 s0, $0x3  }
0x18: {  	vm0 =	vmmov $0xffff;
	v1 =	vshrl.u32 v2, $0x3;
	s21 =	sadd.s32 $0x5400, s31;
	s30 =	sshrl.u32 s28, $0x3;
	s0 =	sadd.s32 s0, s7  }
0x19: {  	v0 =	vand.u32 $0x7, v2;
	v2 =	vor.u32 $0x8, v2;
	v1 =	vmul.u32 $0x8, v1;
	s24 =	simm.s32 $0x100;
	s20 =	sadd.s32 s30, s8;
	[dreg:$0xb] =	wrdreg s0  }
.LBB2_18:
0x1a: {  	s1 =	rddreg [dreg:$0xc]  }
0x1b: {  	s0 =	rddreg [dreg:$0x7];
	s1 =	sadd.s32 $0x1, s1  }
0x1c: {  	p3 =	sne.s32 s1, s0  }
.Ltmp1:
0x1d: {  	_ = 	snop;
	(pc) =	sbr.rel @!p3 .LBB2_19-.Ltmp1, $1  }
0x1e: {  	_ =	sdelay $0x3  }
.LBB2_1:
.Ltmp2:
0x1f: {  	(pc) =	sbr.rel @!p0 .LBB2_2-.Ltmp2, $2  }
0x20: {  	_ =	sdelay $0x2  }
0x21: {  	[dreg:$0xc] =	wrdreg s1  }
0x22: {  	s0 =	rddreg [dreg:$0x5];
	s16 =	simm.s32 $0x3  }
0x23: {  	[tilespmem:s3], [sflag:$0x3] =	stream.linear.gather [hbm4b:s0+s3], $0x20, $0x38;
	[tilespmem:$0x1C100] =	vst v63  }
0x24: {  	_ =	swait.ge [sflag:s16], $0x20  }
0x25: {  	[sflag:s16] =	ssyncset.done $0x0  }
0x26: {  	[sflag:s16] =	ssyncadd.s32 $0xFFFFFFE0  }
0x27: {  	v3 =	vld [tilespmem:$0x0];
	_ =	sdelay $0x4  }
0x28: {  	v4 =	vshll.u32 v3, $0x3  }
0x29: {  	v3 =	vand.u32 $0x7, v3;
	v4 =	vand.u32 $0xFFFFFFC0, v4  }
0x2a: {  	v3 =	vor.u32 v3, v4  }
0x2b: {  	v4 =	vperm.xlane v3, v0;
	_ =	sdelay $0x1  }
0x2c: {  	v4 =	vadd.s32 v1, v4;
	_ =	sdelay $0x4  }
0x2d: {  	[tilespmem:s24], [sflag:$0x1] =	stream.indirect_vreg.gather [hbm4b:s6+s3], $0x80, v4, vm0, $0xb8;
	[tilespmem:$0x1C100] =	vst v63  }
0x2e: {  	s26 =	simm.s32 $0x900;
	v3 =	vperm.xlane v3, v2  }
0x2f: {  	[tilespmem:s26], [sflag:$0x1] =	stream.indirect_vreg.gather [hbm4b:s12+s3], $0x80, v4, vm0, $0xb8;
	[tilespmem:$0x1C100] =	vst v63  }
0x30: {  	s28 =	simm.s32 $0x1100;
	v3 =	vadd.s32 v1, v3  }
0x31: {  	[tilespmem:s28], [sflag:$0x1] =	stream.indirect_vreg.gather [hbm4b:s13+s3], $0x80, v4, vm0, $0xb8;
	[tilespmem:$0x1C100] =	vst v63  }
0x32: {  	s29 =	simm.s32 $0x1900  }
0x33: {  	[tilespmem:s29], [sflag:$0x1] =	stream.indirect_vreg.gather [hbm4b:s14+s3], $0x80, v4, vm0, $0xb8;
	[tilespmem:$0x1C100] =	vst v63  }
0x34: {  	s30 =	simm.s32 $0x2100  }
0x35: {  	[tilespmem:s30], [sflag:$0x1] =	stream.indirect_vreg.gather [hbm4b:s6+s3], $0x80, v3, vm0, $0xb8;
	[tilespmem:$0x1C100] =	vst v63  }
0x36: {  	s31 =	simm.s32 $0x2900  }
0x37: {  	[tilespmem:s31], [sflag:$0x1] =	stream.indirect_vreg.gather [hbm4b:s12+s3], $0x80, v3, vm0, $0xb8;
	[tilespmem:$0x1C100] =	vst v63  }
0x38: {  	s1 =	simm.s32 $0x3100  }
0x39: {  	[tilespmem:s1], [sflag:$0x1] =	stream.indirect_vreg.gather [hbm4b:s13+s3], $0x80, v3, vm0, $0xb8;
	[tilespmem:$0x1C100] =	vst v63  }
0x3a: {  	s9 =	simm.s32 $0x3900  }
0x3b: {  	[tilespmem:s9], [sflag:$0x1] =	stream.indirect_vreg.gather [hbm4b:s14+s3], $0x80, v3, vm0, $0xb8;
	[tilespmem:$0x1C100] =	vst v63  }
0x3c: {  	v3 =	vld [tilespmem:$0x10];
	_ =	sdelay $0x4  }
0x3d: {  	v63 =	vshll.u32 v3, $0x3  }
0x3e: {  	v3 =	vand.u32 $0x7, v3;
	v4 =	vand.u32 $0xFFFFFFC0, v63  }
0x3f: {  	v3 =	vor.u32 v3, v4  }
0x40: {  	v4 =	vperm.xlane v3, v0;
	_ =	sdelay $0x1  }
0x41: {  	v4 =	vadd.s32 v1, v4;
	_ =	sdelay $0x3  }
0x42: {  	s15 =	simm.s32 $0x4100  }
0x43: {  	[tilespmem:s15], [sflag:$0x1] =	stream.indirect_vreg.gather [hbm4b:s6+s3], $0x80, v4, vm0, $0xb8;
	[tilespmem:$0x1C100] =	vst v63  }
0x44: {  	s16 =	simm.s32 $0x4900;
	v3 =	vperm.xlane v3, v2  }
0x45: {  	[tilespmem:s16], [sflag:$0x1] =	stream.indirect_vreg.gather [hbm4b:s12+s3], $0x80, v4, vm0, $0xb8;
	[tilespmem:$0x1C100] =	vst v63  }
0x46: {  	s26 =	simm.s32 $0x5100;
	v3 =	vadd.s32 v1, v3  }
0x47: {  	[tilespmem:s26], [sflag:$0x1] =	stream.indirect_vreg.gather [hbm4b:s13+s3], $0x80, v4, vm0, $0xb8;
	[tilespmem:$0x1C100] =	vst v63  }
0x48: {  	s28 =	simm.s32 $0x5900  }
0x49: {  	[tilespmem:s28], [sflag:$0x1] =	stream.indirect_vreg.gather [hbm4b:s14+s3], $0x80, v4, vm0, $0xb8;
	[tilespmem:$0x1C100] =	vst v63  }
0x4a: {  	_ = 	snop  }
0x4b: {  	[tilespmem:s19], [sflag:$0x1] =	stream.indirect_vreg.gather [hbm4b:s6+s3], $0x80, v3, vm0, $0xb8;
	[tilespmem:$0x1C100] =	vst v63  }
0x4c: {  	s29 =	simm.s32 $0x6900  }
0x4d: {  	[tilespmem:s29], [sflag:$0x1] =	stream.indirect_vreg.gather [hbm4b:s12+s3], $0x80, v3, vm0, $0xb8;
	[tilespmem:$0x1C100] =	vst v63  }
.Ltmp3:
0x4e: {  	_ = 	snop;
	(pc) =	sbr.rel .LBB2_4-.Ltmp3, $4  }
0x4f: {  	s30 =	simm.s32 $0x7100  }
0x50: {  	[tilespmem:s30], [sflag:$0x1] =	stream.indirect_vreg.gather [hbm4b:s13+s3], $0x80, v3, vm0, $0xb8;
	[tilespmem:$0x1C100] =	vst v63  }
0x51: {  	s31 =	simm.s32 $0x7900  }
0x52: {  	[tilespmem:s31], [sflag:$0x1] =	stream.indirect_vreg.gather [hbm4b:s14+s3], $0x80, v3, vm0, $0xb8;
	[tilespmem:$0x1C100] =	vst v63  }
.LBB2_2:
0x53: {  	s0 =	rddreg [dreg:$0x5];
	s1 =	simm.s32 $0x3  }
0x54: {  	[tilespmem:s3], [sflag:$0x3] =	stream.linear.gather [hbm4b:s0+s3], $0x38, $0x38;
	[tilespmem:$0x1C100] =	vst v63  }
0x55: {  	_ =	swait.ge [sflag:s1], $0x38  }
0x56: {  	[sflag:s1] =	ssyncset.done $0x0  }
0x57: {  	[sflag:s1] =	ssyncadd.s32 $0xFFFFFFC8  }
0x58: {  	v3 =	vld [tilespmem:$0x0];
	_ =	sdelay $0x4  }
0x59: {  	v4 =	vshll.u32 v3, $0x3  }
0x5a: {  	v3 =	vand.u32 $0x7, v3;
	v4 =	vand.u32 $0xFFFFFFC0, v4  }
0x5b: {  	v3 =	vor.u32 v3, v4  }
0x5c: {  	v4 =	vperm.xlane v3, v0;
	_ =	sdelay $0x1  }
0x5d: {  	v4 =	vadd.s32 v1, v4;
	_ =	sdelay $0x4  }
0x5e: {  	[tilespmem:s24], [sflag:$0x1] =	stream.indirect_vreg.gather [hbm4b:s6+s3], $0x80, v4, vm0, $0xb8;
	[tilespmem:$0x1C100] =	vst v63  }
0x5f: {  	s9 =	simm.s32 $0x900;
	v3 =	vperm.xlane v3, v2  }
0x60: {  	[tilespmem:s9], [sflag:$0x1] =	stream.indirect_vreg.gather [hbm4b:s12+s3], $0x80, v4, vm0, $0xb8;
	[tilespmem:$0x1C100] =	vst v63  }
0x61: {  	s15 =	simm.s32 $0x1100;
	v3 =	vadd.s32 v1, v3  }
0x62: {  	[tilespmem:s15], [sflag:$0x1] =	stream.indirect_vreg.gather [hbm4b:s13+s3], $0x80, v4, vm0, $0xb8;
	[tilespmem:$0x1C100] =	vst v63  }
0x63: {  	s16 =	simm.s32 $0x1900  }
0x64: {  	[tilespmem:s16], [sflag:$0x1] =	stream.indirect_vreg.gather [hbm4b:s14+s3], $0x80, v4, vm0, $0xb8;
	[tilespmem:$0x1C100] =	vst v63  }
0x65: {  	s26 =	simm.s32 $0x2100  }
0x66: {  	[tilespmem:s26], [sflag:$0x1] =	stream.indirect_vreg.gather [hbm4b:s6+s3], $0x80, v3, vm0, $0xb8;
	[tilespmem:$0x1C100] =	vst v63  }
0x67: {  	s28 =	simm.s32 $0x2900  }
0x68: {  	[tilespmem:s28], [sflag:$0x1] =	stream.indirect_vreg.gather [hbm4b:s12+s3], $0x80, v3, vm0, $0xb8;
	[tilespmem:$0x1C100] =	vst v63  }
0x69: {  	s29 =	simm.s32 $0x3100  }
0x6a: {  	[tilespmem:s29], [sflag:$0x1] =	stream.indirect_vreg.gather [hbm4b:s13+s3], $0x80, v3, vm0, $0xb8;
	[tilespmem:$0x1C100] =	vst v63  }
0x6b: {  	s30 =	simm.s32 $0x3900  }
0x6c: {  	[tilespmem:s30], [sflag:$0x1] =	stream.indirect_vreg.gather [hbm4b:s14+s3], $0x80, v3, vm0, $0xb8;
	[tilespmem:$0x1C100] =	vst v63  }
0x6d: {  	v3 =	vld [tilespmem:$0x10];
	_ =	sdelay $0x4  }
0x6e: {  	v61 =	vshll.u32 v3, $0x3  }
0x6f: {  	v3 =	vand.u32 $0x7, v3;
	v4 =	vand.u32 $0xFFFFFFC0, v61  }
0x70: {  	v3 =	vor.u32 v3, v4  }
0x71: {  	v4 =	vperm.xlane v3, v0;
	_ =	sdelay $0x1  }
0x72: {  	v4 =	vadd.s32 v1, v4;
	_ =	sdelay $0x3  }
0x73: {  	s31 =	simm.s32 $0x4100  }
0x74: {  	[tilespmem:s31], [sflag:$0x1] =	stream.indirect_vreg.gather [hbm4b:s6+s3], $0x80, v4, vm0, $0xb8;
	[tilespmem:$0x1C100] =	vst v63  }
0x75: {  	s1 =	simm.s32 $0x4900;
	v3 =	vperm.xlane v3, v2  }
0x76: {  	[tilespmem:s1], [sflag:$0x1] =	stream.indirect_vreg.gather [hbm4b:s12+s3], $0x80, v4, vm0, $0xb8;
	[tilespmem:$0x1C100] =	vst v63  }
0x77: {  	s9 =	simm.s32 $0x5100;
	v3 =	vadd.s32 v1, v3  }
0x78: {  	[tilespmem:s9], [sflag:$0x1] =	stream.indirect_vreg.gather [hbm4b:s13+s3], $0x80, v4, vm0, $0xb8;
	[tilespmem:$0x1C100] =	vst v63  }
0x79: {  	s15 =	simm.s32 $0x5900  }
0x7a: {  	[tilespmem:s15], [sflag:$0x1] =	stream.indirect_vreg.gather [hbm4b:s14+s3], $0x80, v4, vm0, $0xb8;
	[tilespmem:$0x1C100] =	vst v63  }
0x7b: {  	_ = 	snop  }
0x7c: {  	[tilespmem:s19], [sflag:$0x1] =	stream.indirect_vreg.gather [hbm4b:s6+s3], $0x80, v3, vm0, $0xb8;
	[tilespmem:$0x1C100] =	vst v63  }
0x7d: {  	s16 =	simm.s32 $0x6900  }
0x7e: {  	[tilespmem:s16], [sflag:$0x1] =	stream.indirect_vreg.gather [hbm4b:s12+s3], $0x80, v3, vm0, $0xb8;
	[tilespmem:$0x1C100] =	vst v63  }
0x7f: {  	s26 =	simm.s32 $0x7100  }
0x80: {  	[tilespmem:s26], [sflag:$0x1] =	stream.indirect_vreg.gather [hbm4b:s13+s3], $0x80, v3, vm0, $0xb8;
	[tilespmem:$0x1C100] =	vst v63  }
0x81: {  	s28 =	simm.s32 $0x7900  }
0x82: {  	[tilespmem:s28], [sflag:$0x1] =	stream.indirect_vreg.gather [hbm4b:s14+s3], $0x80, v3, vm0, $0xb8;
	[tilespmem:$0x1C100] =	vst v63  }
0x83: {  	v3 =	vld [tilespmem:$0x20];
	_ =	sdelay $0x4  }
0x84: {  	v62 =	vshll.u32 v3, $0x3  }
0x85: {  	v3 =	vand.u32 $0x7, v3;
	v4 =	vand.u32 $0xFFFFFFC0, v62  }
0x86: {  	v3 =	vor.u32 v3, v4  }
0x87: {  	v4 =	vperm.xlane v3, v0;
	_ =	sdelay $0x1  }
0x88: {  	v4 =	vadd.s32 v1, v4;
	_ =	sdelay $0x3  }
0x89: {  	s29 =	simm.s32 $0x8100  }
0x8a: {  	[tilespmem:s29], [sflag:$0x1] =	stream.indirect_vreg.gather [hbm4b:s6+s3], $0x80, v4, vm0, $0xb8;
	[tilespmem:$0x1C100] =	vst v63  }
0x8b: {  	s30 =	simm.s32 $0x8900;
	v3 =	vperm.xlane v3, v2  }
0x8c: {  	[tilespmem:s30], [sflag:$0x1] =	stream.indirect_vreg.gather [hbm4b:s12+s3], $0x80, v4, vm0, $0xb8;
	[tilespmem:$0x1C100] =	vst v63  }
0x8d: {  	s31 =	simm.s32 $0x9100;
	v3 =	vadd.s32 v1, v3  }
0x8e: {  	[tilespmem:s31], [sflag:$0x1] =	stream.indirect_vreg.gather [hbm4b:s13+s3], $0x80, v4, vm0, $0xb8;
	[tilespmem:$0x1C100] =	vst v63  }
0x8f: {  	s1 =	simm.s32 $0x9900  }
0x90: {  	[tilespmem:s1], [sflag:$0x1] =	stream.indirect_vreg.gather [hbm4b:s14+s3], $0x80, v4, vm0, $0xb8;
	[tilespmem:$0x1C100] =	vst v63  }
0x91: {  	s9 =	simm.s32 $0xA100  }
0x92: {  	[tilespmem:s9], [sflag:$0x1] =	stream.indirect_vreg.gather [hbm4b:s6+s3], $0x80, v3, vm0, $0xb8;
	[tilespmem:$0x1C100] =	vst v63  }
0x93: {  	s15 =	simm.s32 $0xA900  }
0x94: {  	[tilespmem:s15], [sflag:$0x1] =	stream.indirect_vreg.gather [hbm4b:s12+s3], $0x80, v3, vm0, $0xb8;
	[tilespmem:$0x1C100] =	vst v63  }
0x95: {  	s16 =	simm.s32 $0xB100  }
0x96: {  	[tilespmem:s16], [sflag:$0x1] =	stream.indirect_vreg.gather [hbm4b:s13+s3], $0x80, v3, vm0, $0xb8;
	[tilespmem:$0x1C100] =	vst v63  }
0x97: {  	s26 =	simm.s32 $0xB900  }
0x98: {  	[tilespmem:s26], [sflag:$0x1] =	stream.indirect_vreg.gather [hbm4b:s14+s3], $0x80, v3, vm0, $0xb8;
	[tilespmem:$0x1C100] =	vst v63  }
0x99: {  	v3 =	vld.msk [tilespmem:$0x30], $0xff;
	_ =	sdelay $0x4  }
0x9a: {  	v63 =	vshll.u32 v3, $0x3  }
0x9b: {  	v3 =	vand.u32 $0x7, v3;
	v4 =	vand.u32 $0xFFFFFFC0, v63  }
0x9c: {  	v3 =	vor.u32 v3, v4  }
0x9d: {  	v3 =	vperm.xlane v3, v0;
	_ =	sdelay $0x1  }
0x9e: {  	v3 =	vadd.s32 v1, v3;
	_ =	sdelay $0x3  }
0x9f: {  	s28 =	simm.s32 $0xC100  }
0xa0: {  	[tilespmem:s28], [sflag:$0x1] =	stream.indirect_vreg.gather [hbm4b:s6+s3], $0x80, v3, vm0, $0xb8;
	[tilespmem:$0x1C100] =	vst v63  }
0xa1: {  	s29 =	simm.s32 $0xC900  }
0xa2: {  	[tilespmem:s29], [sflag:$0x1] =	stream.indirect_vreg.gather [hbm4b:s12+s3], $0x80, v3, vm0, $0xb8;
	[tilespmem:$0x1C100] =	vst v63  }
0xa3: {  	s30 =	simm.s32 $0xD100  }
0xa4: {  	[tilespmem:s30], [sflag:$0x1] =	stream.indirect_vreg.gather [hbm4b:s13+s3], $0x80, v3, vm0, $0xb8;
	[tilespmem:$0x1C100] =	vst v63  }
0xa5: {  	s31 =	simm.s32 $0xD900  }
0xa6: {  	[tilespmem:s31], [sflag:$0x1] =	stream.indirect_vreg.gather [hbm4b:s14+s3], $0x80, v3, vm0, $0xb8;
	[tilespmem:$0x1C100] =	vst v63  }
.LBB2_4:
.Ltmp4:
0xa7: {  	s28 =	rddreg [dreg:$0xb];
	(pc) =	sbr.rel .LBB2_5-.Ltmp4, $4  }
0xa8: {  	s29 =	rddreg [dreg:$0xa]  }
0xa9: {  	s30 =	rddreg [dreg:$0x3]  }
0xaa: {  	s31 =	rddreg [dreg:$0x6]  }
0xab: {  	s26 =	simm.s32 $0x0;
	s1 =	rddreg [dreg:$0x8];
	s0 =	simm.s32 $0x0  }
.LBB2_16:
0xac: {  	p4 =	seq.s32 @!p3 s4, $0x3  }
0xad: {  	p5 =	por !p4, p3  }
0xae: {  	s9 =	simm.s32 @!p5 $0x2  }
0xaf: {  	_ =	swait.ge @!p5 [sflag:s9], $0x8000  }
0xb0: {  	s15 =	simm.s32 @!p5 $0x0;
	[sflag:s9] =	ssyncset.done @!p5 $0x0  }
0xb1: {  	s16 =	simm.s32 @!p5 $0xE100;
	[sflag:s9] =	ssyncadd.s32 @!p5 $0xFFFF8000;
	s9 =	sadd.s32 @!p5 s26, s21  }
0xb2: {  	[hbm4b:s9+s15] =	stream.linear.scatter @!p5 [tilespmem:s16], [sflag:$0x4], $0x6000, $0x38;
	[tilespmem:$0x1C100] =	vst v63  }
0xb3: {  	s9 =	simm.s32 @!p5 $0x4  }
0xb4: {  	_ =	swait.ge @!p5 [sflag:s9], $0x6000  }
0xb5: {  	[sflag:s9] =	ssyncset.done @!p5 $0x0  }
0xb6: {  	[sflag:s9] =	ssyncadd.s32 @!p5 $0xFFFFA000;
	s9 =	simm.s32 @!p5 $0x14100  }
0xb7: {  	[hbm4b:s29+s15] =	stream.linear.scatter @!p5 [tilespmem:s9], [sflag:$0x3], $0x2000, $0x38;
	[tilespmem:$0x1C100] =	vst v63  }
0xb8: {  	s9 =	simm.s32 @!p5 $0x3  }
0xb9: {  	_ =	swait.ge @!p5 [sflag:s9], $0x2000  }
0xba: {  	p3 =	por p4, p3;
	[sflag:s9] =	ssyncset.done @!p5 $0x0  }
0xbb: {  	[sflag:s9] =	ssyncadd.s32 @!p5 $0xFFFFE000;
	s9 =	simm.s32 @!p3 $0x2  }
0xbc: {  	_ =	swait.ge @!p3 [sflag:s9], $0xE000  }
0xbd: {  	s16 =	simm.s32 @!p3 $0xE100;
	[sflag:s9] =	ssyncset.done @!p3 $0x0  }
0xbe: {  	s15 =	simm.s32 @!p3 $0x0;
	[sflag:s9] =	ssyncadd.s32 @!p3 $0xFFFF2000;
	s9 =	sadd.s32 @!p3 s26, s20  }
0xbf: {  	[hbm4b:s9+s15] =	stream.linear.scatter @!p3 [tilespmem:s16], [sflag:$0x4], $0xE000, $0x38;
	[tilespmem:$0x1C100] =	vst v63  }
0xc0: {  	s9 =	simm.s32 @!p3 $0x4  }
0xc1: {  	_ =	swait.ge @!p3 [sflag:s9], $0xE000  }
0xc2: {  	[sflag:s9] =	ssyncset.done @!p3 $0x0  }
0xc3: {  	[sflag:s9] =	ssyncadd.s32 @!p3 $0xFFFF2000  }
.LBB2_17:
0xc4: {  	s26 =	sadd.s32 $0x64000, s26  }
0xc5: {  	p3 =	sne.s32 s26, $0x514000  }
.Ltmp5:
0xc6: {  	_ = 	snop;
	(pc) =	sbr.rel @!p3 .LBB2_18-.Ltmp5, $3  }
0xc7: {  	_ =	sdelay $0x1  }
0xc8: {  	s0 =	sadd.s32 $0x1, s0;
	s1 =	sadd.s32 $0x4000, s1;
	s31 =	sadd.s32 $0x10, s31  }
0xc9: {  	s30 =	sadd.s32 $0x40, s30;
	s29 =	sadd.s32 $0x4000, s29;
	s28 =	sadd.s32 $0x1C0, s28  }
.LBB2_5:
0xca: {  	s9 =	sadd.s32 $0x20, s30  }
0xcb: {  	p3 =	sgt.u32 s9, $0x30F  }
.Ltmp6:
0xcc: {  	_ = 	snop;
	(pc) =	sbr.rel @p3 .LBB2_10-.Ltmp6, $1  }
0xcd: {  	_ =	sdelay $0x3  }
.Ltmp7:
0xce: {  	(pc) =	sbr.rel @!p0 .LBB2_13-.Ltmp7, $2  }
0xcf: {  	_ =	sdelay $0x2  }
0xd0: {  	s9 =	simm.s32 $0x80  }
0xd1: {  	[tilespmem:s9], [sflag:$0x4] =	stream.linear.gather [hbm4b:s28+s3], $0x20, $0x38;
	[tilespmem:$0x1C100] =	vst v63  }
0xd2: {  	_ =	swait.ge [sflag:s5], $0x20  }
0xd3: {  	[sflag:s5] =	ssyncset.done $0x0  }
0xd4: {  	[sflag:s5] =	ssyncadd.s32 $0xFFFFFFE0  }
0xd5: {  	v3 =	vld [tilespmem:$0x80];
	_ =	sdelay $0x4  }
0xd6: {  	v4 =	vshll.u32 v3, $0x3  }
0xd7: {  	v3 =	vand.u32 $0x7, v3;
	v4 =	vand.u32 $0xFFFFFFC0, v4  }
0xd8: {  	v3 =	vor.u32 v3, v4  }
0xd9: {  	v4 =	vperm.xlane v3, v0;
	_ =	sdelay $0x1  }
0xda: {  	v4 =	vadd.s32 v1, v4;
	_ =	sdelay $0x3  }
0xdb: {  	s16 =	simm.s32 $0xE100  }
0xdc: {  	[tilespmem:s16], [sflag:$0x2] =	stream.indirect_vreg.gather [hbm4b:s6+s3], $0x80, v4, vm0, $0xb8;
	[tilespmem:$0x1C100] =	vst v63  }
0xdd: {  	s15 =	simm.s32 $0xE900;
	v3 =	vperm.xlane v3, v2  }
0xde: {  	[tilespmem:s15], [sflag:$0x2] =	stream.indirect_vreg.gather [hbm4b:s12+s3], $0x80, v4, vm0, $0xb8;
	[tilespmem:$0x1C100] =	vst v63  }
0xdf: {  	v3 =	vadd.s32 v1, v3;
	s16 =	simm.s32 $0xF100  }
0xe0: {  	[tilespmem:s16], [sflag:$0x2] =	stream.indirect_vreg.gather [hbm4b:s13+s3], $0x80, v4, vm0, $0xb8;
	[tilespmem:$0x1C100] =	vst v63  }
0xe1: {  	s15 =	simm.s32 $0xF900  }
0xe2: {  	[tilespmem:s15], [sflag:$0x2] =	stream.indirect_vreg.gather [hbm4b:s14+s3], $0x80, v4, vm0, $0xb8;
	[tilespmem:$0x1C100] =	vst v63  }
0xe3: {  	s16 =	simm.s32 $0x10100  }
0xe4: {  	[tilespmem:s16], [sflag:$0x2] =	stream.indirect_vreg.gather [hbm4b:s6+s3], $0x80, v3, vm0, $0xb8;
	[tilespmem:$0x1C100] =	vst v63  }
0xe5: {  	s15 =	simm.s32 $0x10900  }
0xe6: {  	[tilespmem:s15], [sflag:$0x2] =	stream.indirect_vreg.gather [hbm4b:s12+s3], $0x80, v3, vm0, $0xb8;
	[tilespmem:$0x1C100] =	vst v63  }
0xe7: {  	s16 =	simm.s32 $0x11100  }
0xe8: {  	[tilespmem:s16], [sflag:$0x2] =	stream.indirect_vreg.gather [hbm4b:s13+s3], $0x80, v3, vm0, $0xb8;
	[tilespmem:$0x1C100] =	vst v63  }
0xe9: {  	s15 =	simm.s32 $0x11900  }
0xea: {  	[tilespmem:s15], [sflag:$0x2] =	stream.indirect_vreg.gather [hbm4b:s14+s3], $0x80, v3, vm0, $0xb8;
	[tilespmem:$0x1C100] =	vst v63  }
0xeb: {  	v3 =	vld [tilespmem:$0x90];
	_ =	sdelay $0x4  }
0xec: {  	v63 =	vshll.u32 v3, $0x3  }
0xed: {  	v3 =	vand.u32 $0x7, v3;
	v4 =	vand.u32 $0xFFFFFFC0, v63  }
0xee: {  	v3 =	vor.u32 v3, v4  }
0xef: {  	v4 =	vperm.xlane v3, v0;
	_ =	sdelay $0x1  }
0xf0: {  	v4 =	vadd.s32 v1, v4;
	_ =	sdelay $0x3  }
0xf1: {  	s16 =	simm.s32 $0x12100  }
0xf2: {  	[tilespmem:s16], [sflag:$0x2] =	stream.indirect_vreg.gather [hbm4b:s6+s3], $0x80, v4, vm0, $0xb8;
	[tilespmem:$0x1C100] =	vst v63  }
0xf3: {  	s15 =	simm.s32 $0x12900;
	v3 =	vperm.xlane v3, v2  }
0xf4: {  	[tilespmem:s15], [sflag:$0x2] =	stream.indirect_vreg.gather [hbm4b:s12+s3], $0x80, v4, vm0, $0xb8;
	[tilespmem:$0x1C100] =	vst v63  }
0xf5: {  	v3 =	vadd.s32 v1, v3;
	s16 =	simm.s32 $0x13100  }
0xf6: {  	[tilespmem:s16], [sflag:$0x2] =	stream.indirect_vreg.gather [hbm4b:s13+s3], $0x80, v4, vm0, $0xb8;
	[tilespmem:$0x1C100] =	vst v63  }
0xf7: {  	_ = 	snop  }
0xf8: {  	[tilespmem:s22], [sflag:$0x2] =	stream.indirect_vreg.gather [hbm4b:s14+s3], $0x80, v4, vm0, $0xb8;
	[tilespmem:$0x1C100] =	vst v63  }
0xf9: {  	_ = 	snop  }
0xfa: {  	[tilespmem:s11], [sflag:$0x2] =	stream.indirect_vreg.gather [hbm4b:s6+s3], $0x80, v3, vm0, $0xb8;
	[tilespmem:$0x1C100] =	vst v63  }
0xfb: {  	_ = 	snop  }
0xfc: {  	[tilespmem:s23], [sflag:$0x2] =	stream.indirect_vreg.gather [hbm4b:s12+s3], $0x80, v3, vm0, $0xb8;
	[tilespmem:$0x1C100] =	vst v63  }
.Ltmp8:
0xfd: {  	_ = 	snop;
	(pc) =	sbr.rel .LBB2_8-.Ltmp8, $4  }
0xfe: {  	_ = 	snop  }
0xff: {  	[tilespmem:s18], [sflag:$0x2] =	stream.indirect_vreg.gather [hbm4b:s13+s3], $0x80, v3, vm0, $0xb8;
	[tilespmem:$0x1C100] =	vst v63  }
0x100: {  	_ = 	snop  }
0x101: {  	[tilespmem:s2], [sflag:$0x2] =	stream.indirect_vreg.gather [hbm4b:s14+s3], $0x80, v3, vm0, $0xb8;
	[tilespmem:$0x1C100] =	vst v63  }
.LBB2_10:
0x102: {  	p4 =	slt.u32 s30, $0x310  }
.Ltmp9:
0x103: {  	_ = 	snop;
	(pc) =	sbr.rel @!p4 .LBB2_17-.Ltmp9, $1  }
0x104: {  	_ =	sdelay $0x3  }
.Ltmp10:
0x105: {  	(pc) =	sbr.rel @p2 .LBB2_12-.Ltmp10, $1  }
0x106: {  	_ =	sdelay $0x3  }
.LBB2_8:
0x107: {  	_ =	swait.ge [sflag:s25], $0x8000  }
0x108: {  	[sflag:s25] =	ssyncset.done $0x0  }
0x109: {  	s9 =	sadd.s32 s26, s17;
	[sflag:s25] =	ssyncadd.s32 $0xFFFF8000  }
0x10a: {  	[hbm4b:s9+s3] =	stream.linear.scatter [tilespmem:s24], [sflag:$0x4], $0x6000, $0x38;
	[tilespmem:$0x1C100] =	vst v63  }
0x10b: {  	s9 =	sadd.s32 $0x40, s30;
	_ =	swait.ge [sflag:s5], $0x6000  }
0x10c: {  	p4 =	slt.u32 s9, $0x310;
	[sflag:s5] =	ssyncset.done $0x0  }
.Ltmp11:
0x10d: {  	[sflag:s5] =	ssyncadd.s32 $0xFFFFA000;
	(pc) =	sbr.rel @!p4 .LBB2_16-.Ltmp11, $4  }
0x10e: {  	[hbm4b:s1+s3] =	stream.linear.scatter [tilespmem:s19], [sflag:$0x4], $0x2000, $0x38;
	[tilespmem:$0x1C100] =	vst v63  }
0x10f: {  	_ =	swait.ge [sflag:s5], $0x2000  }
0x110: {  	[sflag:s5] =	ssyncset.done $0x0  }
0x111: {  	[sflag:s5] =	ssyncadd.s32 $0xFFFFE000  }
0x112: {  	s9 =	sshrl.u32 s9, $0x2  }
0x113: {  	s9 =	smul.u32 $0xE0, s9;
	_ =	sdelay $0x1  }
0x114: {  	s9 =	sadd.s32 $0xA8, s9  }
0x115: {  	s9 =	sshrl.u32 s9, $0x3  }
0x116: {  	s9 =	sadd.s32 s7, s9  }
0x117: {  	[tilespmem:s3], [sflag:$0x4] =	stream.linear.gather [hbm4b:s9+s3], $0x20, $0x38;
	[tilespmem:$0x1C100] =	vst v63  }
0x118: {  	_ =	swait.ge [sflag:s5], $0x20  }
0x119: {  	[sflag:s5] =	ssyncset.done $0x0  }
0x11a: {  	[sflag:s5] =	ssyncadd.s32 $0xFFFFFFE0  }
0x11b: {  	v3 =	vld [tilespmem:$0x0];
	_ =	sdelay $0x4  }
0x11c: {  	v4 =	vshll.u32 v3, $0x3  }
0x11d: {  	v3 =	vand.u32 $0x7, v3;
	v4 =	vand.u32 $0xFFFFFFC0, v4  }
0x11e: {  	v3 =	vor.u32 v3, v4  }
0x11f: {  	v4 =	vperm.xlane v3, v0;
	_ =	sdelay $0x1  }
0x120: {  	v4 =	vadd.s32 v1, v4;
	_ =	sdelay $0x4  }
0x121: {  	[tilespmem:s24], [sflag:$0x1] =	stream.indirect_vreg.gather [hbm4b:s6+s3], $0x80, v4, vm0, $0xb8;
	[tilespmem:$0x1C100] =	vst v63  }
0x122: {  	s15 =	simm.s32 $0x900;
	v3 =	vperm.xlane v3, v2  }
0x123: {  	[tilespmem:s15], [sflag:$0x1] =	stream.indirect_vreg.gather [hbm4b:s12+s3], $0x80, v4, vm0, $0xb8;
	[tilespmem:$0x1C100] =	vst v63  }
0x124: {  	s16 =	simm.s32 $0x1100;
	v3 =	vadd.s32 v1, v3  }
0x125: {  	[tilespmem:s16], [sflag:$0x1] =	stream.indirect_vreg.gather [hbm4b:s13+s3], $0x80, v4, vm0, $0xb8;
	[tilespmem:$0x1C100] =	vst v63  }
0x126: {  	s15 =	simm.s32 $0x1900  }
0x127: {  	[tilespmem:s15], [sflag:$0x1] =	stream.indirect_vreg.gather [hbm4b:s14+s3], $0x80, v4, vm0, $0xb8;
	[tilespmem:$0x1C100] =	vst v63  }
0x128: {  	s16 =	simm.s32 $0x2100  }
0x129: {  	[tilespmem:s16], [sflag:$0x1] =	stream.indirect_vreg.gather [hbm4b:s6+s3], $0x80, v3, vm0, $0xb8;
	[tilespmem:$0x1C100] =	vst v63  }
0x12a: {  	s15 =	simm.s32 $0x2900  }
0x12b: {  	[tilespmem:s15], [sflag:$0x1] =	stream.indirect_vreg.gather [hbm4b:s12+s3], $0x80, v3, vm0, $0xb8;
	[tilespmem:$0x1C100] =	vst v63  }
0x12c: {  	s16 =	simm.s32 $0x3100  }
0x12d: {  	[tilespmem:s16], [sflag:$0x1] =	stream.indirect_vreg.gather [hbm4b:s13+s3], $0x80, v3, vm0, $0xb8;
	[tilespmem:$0x1C100] =	vst v63  }
0x12e: {  	s15 =	simm.s32 $0x3900  }
0x12f: {  	[tilespmem:s15], [sflag:$0x1] =	stream.indirect_vreg.gather [hbm4b:s14+s3], $0x80, v3, vm0, $0xb8;
	[tilespmem:$0x1C100] =	vst v63  }
0x130: {  	v3 =	vld [tilespmem:$0x10];
	_ =	sdelay $0x4  }
0x131: {  	v63 =	vshll.u32 v3, $0x3  }
0x132: {  	v3 =	vand.u32 $0x7, v3;
	v4 =	vand.u32 $0xFFFFFFC0, v63  }
0x133: {  	v3 =	vor.u32 v3, v4  }
0x134: {  	v4 =	vperm.xlane v3, v0;
	_ =	sdelay $0x1  }
0x135: {  	v4 =	vadd.s32 v1, v4;
	_ =	sdelay $0x3  }
0x136: {  	s16 =	simm.s32 $0x4100  }
0x137: {  	[tilespmem:s16], [sflag:$0x1] =	stream.indirect_vreg.gather [hbm4b:s6+s3], $0x80, v4, vm0, $0xb8;
	[tilespmem:$0x1C100] =	vst v63  }
0x138: {  	s15 =	simm.s32 $0x4900;
	v3 =	vperm.xlane v3, v2  }
0x139: {  	[tilespmem:s15], [sflag:$0x1] =	stream.indirect_vreg.gather [hbm4b:s12+s3], $0x80, v4, vm0, $0xb8;
	[tilespmem:$0x1C100] =	vst v63  }
0x13a: {  	v3 =	vadd.s32 v1, v3;
	s16 =	simm.s32 $0x5100  }
0x13b: {  	[tilespmem:s16], [sflag:$0x1] =	stream.indirect_vreg.gather [hbm4b:s13+s3], $0x80, v4, vm0, $0xb8;
	[tilespmem:$0x1C100] =	vst v63  }
0x13c: {  	s15 =	simm.s32 $0x5900  }
0x13d: {  	[tilespmem:s15], [sflag:$0x1] =	stream.indirect_vreg.gather [hbm4b:s14+s3], $0x80, v4, vm0, $0xb8;
	[tilespmem:$0x1C100] =	vst v63  }
0x13e: {  	_ = 	snop  }
0x13f: {  	[tilespmem:s19], [sflag:$0x1] =	stream.indirect_vreg.gather [hbm4b:s6+s3], $0x80, v3, vm0, $0xb8;
	[tilespmem:$0x1C100] =	vst v63  }
0x140: {  	s16 =	simm.s32 $0x6900  }
0x141: {  	[tilespmem:s16], [sflag:$0x1] =	stream.indirect_vreg.gather [hbm4b:s12+s3], $0x80, v3, vm0, $0xb8;
	[tilespmem:$0x1C100] =	vst v63  }
.Ltmp12:
0x142: {  	_ = 	snop;
	(pc) =	sbr.rel .LBB2_16-.Ltmp12, $4  }
0x143: {  	s15 =	simm.s32 $0x7100  }
0x144: {  	[tilespmem:s15], [sflag:$0x1] =	stream.indirect_vreg.gather [hbm4b:s13+s3], $0x80, v3, vm0, $0xb8;
	[tilespmem:$0x1C100] =	vst v63  }
0x145: {  	s16 =	simm.s32 $0x7900  }
0x146: {  	[tilespmem:s16], [sflag:$0x1] =	stream.indirect_vreg.gather [hbm4b:s14+s3], $0x80, v3, vm0, $0xb8;
	[tilespmem:$0x1C100] =	vst v63  }
.LBB2_13:
0x147: {  	[tilespmem:s9], [sflag:$0x4] =	stream.linear.gather [hbm4b:s28+s3], $0x38, $0x38;
	[tilespmem:$0x1C100] =	vst v63  }
0x148: {  	_ =	swait.ge [sflag:s5], $0x38  }
0x149: {  	[sflag:s5] =	ssyncset.done $0x0  }
0x14a: {  	[sflag:s5] =	ssyncadd.s32 $0xFFFFFFC8  }
0x14b: {  	v3 =	vld [tilespmem:$0x80];
	_ =	sdelay $0x4  }
0x14c: {  	v4 =	vshll.u32 v3, $0x3  }
0x14d: {  	v3 =	vand.u32 $0x7, v3;
	v4 =	vand.u32 $0xFFFFFFC0, v4  }
0x14e: {  	v3 =	vor.u32 v3, v4  }
0x14f: {  	v4 =	vperm.xlane v3, v0;
	_ =	sdelay $0x1  }
0x150: {  	v4 =	vadd.s32 v1, v4;
	_ =	sdelay $0x3  }
0x151: {  	s16 =	simm.s32 $0xE100  }
0x152: {  	[tilespmem:s16], [sflag:$0x2] =	stream.indirect_vreg.gather [hbm4b:s6+s3], $0x80, v4, vm0, $0xb8;
	[tilespmem:$0x1C100] =	vst v63  }
0x153: {  	s15 =	simm.s32 $0xE900;
	v3 =	vperm.xlane v3, v2  }
0x154: {  	[tilespmem:s15], [sflag:$0x2] =	stream.indirect_vreg.gather [hbm4b:s12+s3], $0x80, v4, vm0, $0xb8;
	[tilespmem:$0x1C100] =	vst v63  }
0x155: {  	v3 =	vadd.s32 v1, v3;
	s16 =	simm.s32 $0xF100  }
0x156: {  	[tilespmem:s16], [sflag:$0x2] =	stream.indirect_vreg.gather [hbm4b:s13+s3], $0x80, v4, vm0, $0xb8;
	[tilespmem:$0x1C100] =	vst v63  }
0x157: {  	s15 =	simm.s32 $0xF900  }
0x158: {  	[tilespmem:s15], [sflag:$0x2] =	stream.indirect_vreg.gather [hbm4b:s14+s3], $0x80, v4, vm0, $0xb8;
	[tilespmem:$0x1C100] =	vst v63  }
0x159: {  	s16 =	simm.s32 $0x10100  }
0x15a: {  	[tilespmem:s16], [sflag:$0x2] =	stream.indirect_vreg.gather [hbm4b:s6+s3], $0x80, v3, vm0, $0xb8;
	[tilespmem:$0x1C100] =	vst v63  }
0x15b: {  	s15 =	simm.s32 $0x10900  }
0x15c: {  	[tilespmem:s15], [sflag:$0x2] =	stream.indirect_vreg.gather [hbm4b:s12+s3], $0x80, v3, vm0, $0xb8;
	[tilespmem:$0x1C100] =	vst v63  }
0x15d: {  	s16 =	simm.s32 $0x11100  }
0x15e: {  	[tilespmem:s16], [sflag:$0x2] =	stream.indirect_vreg.gather [hbm4b:s13+s3], $0x80, v3, vm0, $0xb8;
	[tilespmem:$0x1C100] =	vst v63  }
0x15f: {  	s15 =	simm.s32 $0x11900  }
0x160: {  	[tilespmem:s15], [sflag:$0x2] =	stream.indirect_vreg.gather [hbm4b:s14+s3], $0x80, v3, vm0, $0xb8;
	[tilespmem:$0x1C100] =	vst v63  }
0x161: {  	v3 =	vld [tilespmem:$0x90];
	_ =	sdelay $0x4  }
0x162: {  	v61 =	vshll.u32 v3, $0x3  }
0x163: {  	v3 =	vand.u32 $0x7, v3;
	v4 =	vand.u32 $0xFFFFFFC0, v61  }
0x164: {  	v3 =	vor.u32 v3, v4  }
0x165: {  	v4 =	vperm.xlane v3, v0;
	_ =	sdelay $0x1  }
0x166: {  	v4 =	vadd.s32 v1, v4;
	_ =	sdelay $0x3  }
0x167: {  	s16 =	simm.s32 $0x12100  }
0x168: {  	[tilespmem:s16], [sflag:$0x2] =	stream.indirect_vreg.gather [hbm4b:s6+s3], $0x80, v4, vm0, $0xb8;
	[tilespmem:$0x1C100] =	vst v63  }
0x169: {  	s15 =	simm.s32 $0x12900;
	v3 =	vperm.xlane v3, v2  }
0x16a: {  	[tilespmem:s15], [sflag:$0x2] =	stream.indirect_vreg.gather [hbm4b:s12+s3], $0x80, v4, vm0, $0xb8;
	[tilespmem:$0x1C100] =	vst v63  }
0x16b: {  	v3 =	vadd.s32 v1, v3;
	s16 =	simm.s32 $0x13100  }
0x16c: {  	[tilespmem:s16], [sflag:$0x2] =	stream.indirect_vreg.gather [hbm4b:s13+s3], $0x80, v4, vm0, $0xb8;
	[tilespmem:$0x1C100] =	vst v63  }
0x16d: {  	_ = 	snop  }
0x16e: {  	[tilespmem:s22], [sflag:$0x2] =	stream.indirect_vreg.gather [hbm4b:s14+s3], $0x80, v4, vm0, $0xb8;
	[tilespmem:$0x1C100] =	vst v63  }
0x16f: {  	_ = 	snop  }
0x170: {  	[tilespmem:s11], [sflag:$0x2] =	stream.indirect_vreg.gather [hbm4b:s6+s3], $0x80, v3, vm0, $0xb8;
	[tilespmem:$0x1C100] =	vst v63  }
0x171: {  	_ = 	snop  }
0x172: {  	[tilespmem:s23], [sflag:$0x2] =	stream.indirect_vreg.gather [hbm4b:s12+s3], $0x80, v3, vm0, $0xb8;
	[tilespmem:$0x1C100] =	vst v63  }
0x173: {  	_ = 	snop  }
0x174: {  	[tilespmem:s18], [sflag:$0x2] =	stream.indirect_vreg.gather [hbm4b:s13+s3], $0x80, v3, vm0, $0xb8;
	[tilespmem:$0x1C100] =	vst v63  }
0x175: {  	_ = 	snop  }
0x176: {  	[tilespmem:s2], [sflag:$0x2] =	stream.indirect_vreg.gather [hbm4b:s14+s3], $0x80, v3, vm0, $0xb8;
	[tilespmem:$0x1C100] =	vst v63  }
0x177: {  	v3 =	vld [tilespmem:$0xA0];
	_ =	sdelay $0x4  }
0x178: {  	v62 =	vshll.u32 v3, $0x3  }
0x179: {  	v3 =	vand.u32 $0x7, v3;
	v4 =	vand.u32 $0xFFFFFFC0, v62  }
0x17a: {  	v3 =	vor.u32 v3, v4  }
0x17b: {  	v4 =	vperm.xlane v3, v0;
	_ =	sdelay $0x1  }
0x17c: {  	v4 =	vadd.s32 v1, v4;
	_ =	sdelay $0x3  }
0x17d: {  	s15 =	simm.s32 $0x16100  }
0x17e: {  	[tilespmem:s15], [sflag:$0x2] =	stream.indirect_vreg.gather [hbm4b:s6+s3], $0x80, v4, vm0, $0xb8;
	[tilespmem:$0x1C100] =	vst v63  }
0x17f: {  	s16 =	simm.s32 $0x16900;
	v3 =	vperm.xlane v3, v2  }
0x180: {  	[tilespmem:s16], [sflag:$0x2] =	stream.indirect_vreg.gather [hbm4b:s12+s3], $0x80, v4, vm0, $0xb8;
	[tilespmem:$0x1C100] =	vst v63  }
0x181: {  	v3 =	vadd.s32 v1, v3;
	s15 =	simm.s32 $0x17100  }
0x182: {  	[tilespmem:s15], [sflag:$0x2] =	stream.indirect_vreg.gather [hbm4b:s13+s3], $0x80, v4, vm0, $0xb8;
	[tilespmem:$0x1C100] =	vst v63  }
0x183: {  	s16 =	simm.s32 $0x17900  }
0x184: {  	[tilespmem:s16], [sflag:$0x2] =	stream.indirect_vreg.gather [hbm4b:s14+s3], $0x80, v4, vm0, $0xb8;
	[tilespmem:$0x1C100] =	vst v63  }
0x185: {  	s15 =	simm.s32 $0x18100  }
0x186: {  	[tilespmem:s15], [sflag:$0x2] =	stream.indirect_vreg.gather [hbm4b:s6+s3], $0x80, v3, vm0, $0xb8;
	[tilespmem:$0x1C100] =	vst v63  }
0x187: {  	s16 =	simm.s32 $0x18900  }
0x188: {  	[tilespmem:s16], [sflag:$0x2] =	stream.indirect_vreg.gather [hbm4b:s12+s3], $0x80, v3, vm0, $0xb8;
	[tilespmem:$0x1C100] =	vst v63  }
0x189: {  	s15 =	simm.s32 $0x19100  }
0x18a: {  	[tilespmem:s15], [sflag:$0x2] =	stream.indirect_vreg.gather [hbm4b:s13+s3], $0x80, v3, vm0, $0xb8;
	[tilespmem:$0x1C100] =	vst v63  }
0x18b: {  	s16 =	simm.s32 $0x19900  }
0x18c: {  	[tilespmem:s16], [sflag:$0x2] =	stream.indirect_vreg.gather [hbm4b:s14+s3], $0x80, v3, vm0, $0xb8;
	[tilespmem:$0x1C100] =	vst v63  }
0x18d: {  	v3 =	vld.msk [tilespmem:$0xB0], $0xff;
	_ =	sdelay $0x4  }
0x18e: {  	v63 =	vshll.u32 v3, $0x3  }
0x18f: {  	v3 =	vand.u32 $0x7, v3;
	v4 =	vand.u32 $0xFFFFFFC0, v63  }
0x190: {  	v3 =	vor.u32 v3, v4  }
0x191: {  	v3 =	vperm.xlane v3, v0;
	_ =	sdelay $0x1  }
0x192: {  	v3 =	vadd.s32 v1, v3;
	_ =	sdelay $0x3  }
0x193: {  	s15 =	simm.s32 $0x1A100  }
0x194: {  	[tilespmem:s15], [sflag:$0x2] =	stream.indirect_vreg.gather [hbm4b:s6+s3], $0x80, v3, vm0, $0xb8;
	[tilespmem:$0x1C100] =	vst v63  }
0x195: {  	s16 =	simm.s32 $0x1A900  }
0x196: {  	[tilespmem:s16], [sflag:$0x2] =	stream.indirect_vreg.gather [hbm4b:s12+s3], $0x80, v3, vm0, $0xb8;
	[tilespmem:$0x1C100] =	vst v63  }
0x197: {  	s16 =	rddreg [dreg:$0x9]  }
0x198: {  	s15 =	simm.s32 $0x1B100;
	s9 =	sadd.s32 s26, s16  }
0x199: {  	[tilespmem:s15], [sflag:$0x2] =	stream.indirect_vreg.gather [hbm4b:s13+s3], $0x80, v3, vm0, $0xb8;
	[tilespmem:$0x1C100] =	vst v63  }
0x19a: {  	p4 =	seq.s32 s9, $0x0  }
.Ltmp13:
0x19b: {  	s15 =	simm.s32 $0x1B900;
	p4 =	por !p1, !p4;
	(pc) =	sbr.rel .LBB2_14-.Ltmp13, $4  }
0x19c: {  	[tilespmem:s15], [sflag:$0x2] =	stream.indirect_vreg.gather [hbm4b:s14+s3], $0x80, v3, vm0, $0xb8;
	[tilespmem:$0x1C100] =	vst v63  }
0x19d: {  	s9 =	simm.s32 $0x1;
	p4 =	por !p4, !p4  }
0x19e: {  	s9 =	simm.s32 @!p4 $0x0  }
0x19f: {  	s9 =	ssub.s32 s31, s9  }
.LBB2_12:
0x1a0: {  	s9 =	sshll.u32 s0, $0x6;
	s15 =	rddreg [dreg:$0x3]  }
0x1a1: {  	s9 =	sor.u32 s9, s15  }
0x1a2: {  	s9 =	sshrl.u32 s9, $0x2  }
.LBB2_14:
0x1a3: {  	s9 =	smul.u32 $0x32000, s9;
	_ =	sdelay $0x1  }
0x1a4: {  	_ =	swait.ge [sflag:s25], $0xE000;
	s9 =	sadd.s32 s10, s9  }
0x1a5: {  	[sflag:s25] =	ssyncset.done $0x0;
	s9 =	sshrl.u32 s9, $0x3  }
0x1a6: {  	[sflag:s25] =	ssyncadd.s32 $0xFFFF2000;
	s9 =	sadd.s32 s8, s9  }
0x1a7: {  	[hbm4b:s9+s3] =	stream.linear.scatter [tilespmem:s24], [sflag:$0x4], $0xE000, $0x38;
	[tilespmem:$0x1C100] =	vst v63  }
0x1a8: {  	s9 =	sadd.s32 $0x40, s30  }
0x1a9: {  	p4 =	sgt.u32 s9, $0x30F  }
.Ltmp14:
0x1aa: {  	_ = 	snop;
	(pc) =	sbr.rel @p4 .LBB2_16-.Ltmp14, $4  }
0x1ab: {  	_ = 	snop  }
0x1ac: {  	_ =	swait.ge [sflag:s5], $0xE000  }
0x1ad: {  	[sflag:s5] =	ssyncset.done $0x0  }
0x1ae: {  	[sflag:s5] =	ssyncadd.s32 $0xFFFF2000  }
0x1af: {  	s9 =	sshrl.u32 s9, $0x2  }
0x1b0: {  	s9 =	smul.u32 $0xE0, s9  }
0x1b1: {  	s15 =	rddreg [dreg:$0x4]  }
0x1b2: {  	s9 =	sadd.s32 s15, s9  }
0x1b3: {  	s9 =	sshrl.u32 s9, $0x3  }
0x1b4: {  	s9 =	sadd.s32 s7, s9  }
0x1b5: {  	[tilespmem:s3], [sflag:$0x4] =	stream.linear.gather [hbm4b:s9+s3], $0x38, $0x38;
	[tilespmem:$0x1C100] =	vst v63  }
0x1b6: {  	_ =	swait.ge [sflag:s5], $0x38  }
0x1b7: {  	[sflag:s5] =	ssyncset.done $0x0  }
0x1b8: {  	[sflag:s5] =	ssyncadd.s32 $0xFFFFFFC8  }
0x1b9: {  	v3 =	vld [tilespmem:$0x0];
	_ =	sdelay $0x4  }
0x1ba: {  	v4 =	vshll.u32 v3, $0x3  }
0x1bb: {  	v3 =	vand.u32 $0x7, v3;
	v4 =	vand.u32 $0xFFFFFFC0, v4  }
0x1bc: {  	v3 =	vor.u32 v3, v4  }
0x1bd: {  	v4 =	vperm.xlane v3, v0;
	_ =	sdelay $0x1  }
0x1be: {  	v4 =	vadd.s32 v1, v4;
	_ =	sdelay $0x4  }
0x1bf: {  	[tilespmem:s24], [sflag:$0x1] =	stream.indirect_vreg.gather [hbm4b:s6+s3], $0x80, v4, vm0, $0xb8;
	[tilespmem:$0x1C100] =	vst v63  }
0x1c0: {  	s15 =	simm.s32 $0x900;
	v3 =	vperm.xlane v3, v2  }
0x1c1: {  	[tilespmem:s15], [sflag:$0x1] =	stream.indirect_vreg.gather [hbm4b:s12+s3], $0x80, v4, vm0, $0xb8;
	[tilespmem:$0x1C100] =	vst v63  }
0x1c2: {  	s16 =	simm.s32 $0x1100;
	v3 =	vadd.s32 v1, v3  }
0x1c3: {  	[tilespmem:s16], [sflag:$0x1] =	stream.indirect_vreg.gather [hbm4b:s13+s3], $0x80, v4, vm0, $0xb8;
	[tilespmem:$0x1C100] =	vst v63  }
0x1c4: {  	s15 =	simm.s32 $0x1900  }
0x1c5: {  	[tilespmem:s15], [sflag:$0x1] =	stream.indirect_vreg.gather [hbm4b:s14+s3], $0x80, v4, vm0, $0xb8;
	[tilespmem:$0x1C100] =	vst v63  }
0x1c6: {  	s16 =	simm.s32 $0x2100  }
0x1c7: {  	[tilespmem:s16], [sflag:$0x1] =	stream.indirect_vreg.gather [hbm4b:s6+s3], $0x80, v3, vm0, $0xb8;
	[tilespmem:$0x1C100] =	vst v63  }
0x1c8: {  	s15 =	simm.s32 $0x2900  }
0x1c9: {  	[tilespmem:s15], [sflag:$0x1] =	stream.indirect_vreg.gather [hbm4b:s12+s3], $0x80, v3, vm0, $0xb8;
	[tilespmem:$0x1C100] =	vst v63  }
0x1ca: {  	s16 =	simm.s32 $0x3100  }
0x1cb: {  	[tilespmem:s16], [sflag:$0x1] =	stream.indirect_vreg.gather [hbm4b:s13+s3], $0x80, v3, vm0, $0xb8;
	[tilespmem:$0x1C100] =	vst v63  }
0x1cc: {  	s15 =	simm.s32 $0x3900  }
0x1cd: {  	[tilespmem:s15], [sflag:$0x1] =	stream.indirect_vreg.gather [hbm4b:s14+s3], $0x80, v3, vm0, $0xb8;
	[tilespmem:$0x1C100] =	vst v63  }
0x1ce: {  	v3 =	vld [tilespmem:$0x10];
	_ =	sdelay $0x4  }
0x1cf: {  	v61 =	vshll.u32 v3, $0x3  }
0x1d0: {  	v3 =	vand.u32 $0x7, v3;
	v4 =	vand.u32 $0xFFFFFFC0, v61  }
0x1d1: {  	v3 =	vor.u32 v3, v4  }
0x1d2: {  	v4 =	vperm.xlane v3, v0;
	_ =	sdelay $0x1  }
0x1d3: {  	v4 =	vadd.s32 v1, v4;
	_ =	sdelay $0x3  }
0x1d4: {  	s16 =	simm.s32 $0x4100  }
0x1d5: {  	[tilespmem:s16], [sflag:$0x1] =	stream.indirect_vreg.gather [hbm4b:s6+s3], $0x80, v4, vm0, $0xb8;
	[tilespmem:$0x1C100] =	vst v63  }
0x1d6: {  	s15 =	simm.s32 $0x4900;
	v3 =	vperm.xlane v3, v2  }
0x1d7: {  	[tilespmem:s15], [sflag:$0x1] =	stream.indirect_vreg.gather [hbm4b:s12+s3], $0x80, v4, vm0, $0xb8;
	[tilespmem:$0x1C100] =	vst v63  }
0x1d8: {  	v3 =	vadd.s32 v1, v3;
	s16 =	simm.s32 $0x5100  }
0x1d9: {  	[tilespmem:s16], [sflag:$0x1] =	stream.indirect_vreg.gather [hbm4b:s13+s3], $0x80, v4, vm0, $0xb8;
	[tilespmem:$0x1C100] =	vst v63  }
0x1da: {  	s15 =	simm.s32 $0x5900  }
0x1db: {  	[tilespmem:s15], [sflag:$0x1] =	stream.indirect_vreg.gather [hbm4b:s14+s3], $0x80, v4, vm0, $0xb8;
	[tilespmem:$0x1C100] =	vst v63  }
0x1dc: {  	_ = 	snop  }
0x1dd: {  	[tilespmem:s19], [sflag:$0x1] =	stream.indirect_vreg.gather [hbm4b:s6+s3], $0x80, v3, vm0, $0xb8;
	[tilespmem:$0x1C100] =	vst v63  }
0x1de: {  	s16 =	simm.s32 $0x6900  }
0x1df: {  	[tilespmem:s16], [sflag:$0x1] =	stream.indirect_vreg.gather [hbm4b:s12+s3], $0x80, v3, vm0, $0xb8;
	[tilespmem:$0x1C100] =	vst v63  }
0x1e0: {  	s15 =	simm.s32 $0x7100  }
0x1e1: {  	[tilespmem:s15], [sflag:$0x1] =	stream.indirect_vreg.gather [hbm4b:s13+s3], $0x80, v3, vm0, $0xb8;
	[tilespmem:$0x1C100] =	vst v63  }
0x1e2: {  	s16 =	simm.s32 $0x7900  }
0x1e3: {  	[tilespmem:s16], [sflag:$0x1] =	stream.indirect_vreg.gather [hbm4b:s14+s3], $0x80, v3, vm0, $0xb8;
	[tilespmem:$0x1C100] =	vst v63  }
0x1e4: {  	v3 =	vld [tilespmem:$0x20];
	_ =	sdelay $0x4  }
0x1e5: {  	v62 =	vshll.u32 v3, $0x3  }
0x1e6: {  	v3 =	vand.u32 $0x7, v3;
	v4 =	vand.u32 $0xFFFFFFC0, v62  }
0x1e7: {  	v3 =	vor.u32 v3, v4  }
0x1e8: {  	v4 =	vperm.xlane v3, v0;
	_ =	sdelay $0x1  }
0x1e9: {  	v4 =	vadd.s32 v1, v4;
	_ =	sdelay $0x3  }
0x1ea: {  	s15 =	simm.s32 $0x8100  }
0x1eb: {  	[tilespmem:s15], [sflag:$0x1] =	stream.indirect_vreg.gather [hbm4b:s6+s3], $0x80, v4, vm0, $0xb8;
	[tilespmem:$0x1C100] =	vst v63  }
0x1ec: {  	s16 =	simm.s32 $0x8900;
	v3 =	vperm.xlane v3, v2  }
0x1ed: {  	[tilespmem:s16], [sflag:$0x1] =	stream.indirect_vreg.gather [hbm4b:s12+s3], $0x80, v4, vm0, $0xb8;
	[tilespmem:$0x1C100] =	vst v63  }
0x1ee: {  	v3 =	vadd.s32 v1, v3;
	s15 =	simm.s32 $0x9100  }
0x1ef: {  	[tilespmem:s15], [sflag:$0x1] =	stream.indirect_vreg.gather [hbm4b:s13+s3], $0x80, v4, vm0, $0xb8;
	[tilespmem:$0x1C100] =	vst v63  }
0x1f0: {  	s16 =	simm.s32 $0x9900  }
0x1f1: {  	[tilespmem:s16], [sflag:$0x1] =	stream.indirect_vreg.gather [hbm4b:s14+s3], $0x80, v4, vm0, $0xb8;
	[tilespmem:$0x1C100] =	vst v63  }
0x1f2: {  	s15 =	simm.s32 $0xA100  }
0x1f3: {  	[tilespmem:s15], [sflag:$0x1] =	stream.indirect_vreg.gather [hbm4b:s6+s3], $0x80, v3, vm0, $0xb8;
	[tilespmem:$0x1C100] =	vst v63  }
0x1f4: {  	s16 =	simm.s32 $0xA900  }
0x1f5: {  	[tilespmem:s16], [sflag:$0x1] =	stream.indirect_vreg.gather [hbm4b:s12+s3], $0x80, v3, vm0, $0xb8;
	[tilespmem:$0x1C100] =	vst v63  }
0x1f6: {  	s15 =	simm.s32 $0xB100  }
0x1f7: {  	[tilespmem:s15], [sflag:$0x1] =	stream.indirect_vreg.gather [hbm4b:s13+s3], $0x80, v3, vm0, $0xb8;
	[tilespmem:$0x1C100] =	vst v63  }
0x1f8: {  	s16 =	simm.s32 $0xB900  }
0x1f9: {  	[tilespmem:s16], [sflag:$0x1] =	stream.indirect_vreg.gather [hbm4b:s14+s3], $0x80, v3, vm0, $0xb8;
	[tilespmem:$0x1C100] =	vst v63  }
0x1fa: {  	v3 =	vld.msk [tilespmem:$0x30], $0xff;
	_ =	sdelay $0x4  }
0x1fb: {  	v63 =	vshll.u32 v3, $0x3  }
0x1fc: {  	v3 =	vand.u32 $0x7, v3;
	v4 =	vand.u32 $0xFFFFFFC0, v63  }
0x1fd: {  	v3 =	vor.u32 v3, v4  }
0x1fe: {  	v3 =	vperm.xlane v3, v0;
	_ =	sdelay $0x1  }
0x1ff: {  	v3 =	vadd.s32 v1, v3;
	_ =	sdelay $0x3  }
0x200: {  	s15 =	simm.s32 $0xC100  }
0x201: {  	[tilespmem:s15], [sflag:$0x1] =	stream.indirect_vreg.gather [hbm4b:s6+s3], $0x80, v3, vm0, $0xb8;
	[tilespmem:$0x1C100] =	vst v63  }
0x202: {  	s16 =	simm.s32 $0xC900  }
0x203: {  	[tilespmem:s16], [sflag:$0x1] =	stream.indirect_vreg.gather [hbm4b:s12+s3], $0x80, v3, vm0, $0xb8;
	[tilespmem:$0x1C100] =	vst v63  }
.Ltmp15:
0x204: {  	_ = 	snop;
	(pc) =	sbr.rel .LBB2_16-.Ltmp15, $4  }
0x205: {  	s15 =	simm.s32 $0xD100  }
0x206: {  	[tilespmem:s15], [sflag:$0x1] =	stream.indirect_vreg.gather [hbm4b:s13+s3], $0x80, v3, vm0, $0xb8;
	[tilespmem:$0x1C100] =	vst v63  }
0x207: {  	s16 =	simm.s32 $0xD900  }
0x208: {  	[tilespmem:s16], [sflag:$0x1] =	stream.indirect_vreg.gather [hbm4b:s14+s3], $0x80, v3, vm0, $0xb8;
	[tilespmem:$0x1C100] =	vst v63  }
.LBB2_19:
0x209: {  	_ =	sfence.sel $0x180000  }
0x20a: {  	[bflag:$0x0] =	sbarrier.arrive $0xFFFF  }
0x20b: {  	_ =	strace $0x90000047  }
0x20c: {  	s0 =	stileid.u32;
	[bflag:$0x2] =	sbarrier.arrive $0xFFFF  }
0x20d: {  	p0 =	sne.s32 s0, $0x0;
	s0 =	rddreg [dreg:$0x2]  }
0x20e: {  	s0 =	sadd.s32 @!p0 $0x100000, s0  }
0x20f: {  	[sflag:s0] =	ssyncadd.tile.s32 @!p0 $0x1;
	_ =	shalt  }
.Lfunc_end2:
_tile_overlayer_lowered:
.L_overlay_start_2:
0x210: {  	(tag) =	ssettag $0x2  }
0x211: {  	s0 =	rddreg [dreg:$0x0];
	s2 =	stileid.u32  }
0x212: {  	s1 =	rddreg [dreg:$0x1];
	p0 =	sne.s32 s2, $0x0  }
0x213: {  	s3 =	rddreg [dreg:$0x2];
	[bflag:$0x3] =	sbarrier.arrive $0xFFFF;
	s2 =	simm.s32 @!p0 $0x1C03  }
0x214: {  	[timem:s3], [sflag:s2] =	dma.local @!p0 [hbm:s0], s1  }
0x215: {  	s0 =	simm.s32 @!p0 $0x3  }
0x216: {  	_ =	swait.ge @!p0 [sflag:s0], s1  }
0x217: {  	s1 =	ssub.s32 @!p0 $0x0, s1;
	[sflag:s0] =	ssyncset.done @!p0 $0x0  }
0x218: {  	[sflag:s0] =	ssyncadd.s32 @!p0 s1  }
0x219: {  	[bflag:$0x3] =	sbarrier.arrive $0xFFFF  }
0x21a: {  	_ =	shalt  }

// kernel: sparse-core-data-format-call.cloned.1.call-start
scs
called_computation_lowered:
.L_overlay_start_0:
0x0: {  	s2 =	sld [smem:$0x3FD9]  }
0x1: {  	s3 =	sld [smem:$0x3FFE];
	_ =	sdelay $0x1  }
0x2: {  	s1 =	srdreg.scid  }
0x3: {  	s0 =	sand.u32 $0x1, s1  }
0x4: {  	s18 =	sshll.u32 s0, $0xA;
	s2 =	sadd.s32 s3, s2  }
0x5: {  	s2 =	sadd.s32 s2, s18  }
0x6: {  	[smem:$0x3FC6] =	sst s2  }
0x7: {  	_ = 	snop  }
0x8: {  	s2 =	sld [smem:$0x3FD0];
	(tm) =	ssettm $0x1  }
0x9: {  	s19 =	sld [smem:$0x3FFB];
	_ =	sdelay $0x3  }
0xa: {  	_ =	strace s19  }
0xb: {  	s3 =	sld [smem:$0x3FFC];
	_ =	sdelay $0x3  }
0xc: {  	_ =	strace s3  }
0xd: {  	s3 =	sld [smem:$0x3FFD];
	_ =	sdelay $0x3  }
0xe: {  	_ =	strace s3  }
0xf: {  	_ =	strace $0x8FFFFFFF  }
0x10: {  	s20 =	sld [smem:$0x3FDB];
	_ =	sdelay $0x1  }
0x11: {  	s4 =	simm.s32 $_scs_section_size  }
0x12: {  	s5 =	simm.s32 $_size__tile_overlayer_lowered;
	s6 =	simm.s32 $_tile_overlayer_lowered  }
0x13: {  	s23 =	simm.s32 $0x1BFF;
	s22 =	sshll.u32 s6, $0x1;
	s3 =	sadd.s32 s4, s20  }
0x14: {  	s7 =	simm.s32 $0x0;
	s21 =	sshll.u32 s5, $0x1;
	s5 =	sadd.s32 s22, s3  }
0x15: {  	[timem:s7], [sflag:s23] =	dma.local [hbm:s5], s21  }
0x16: {  	_ =	swait.ge [sflag:s23], s21  }
0x17: {  	s4 =	ssub.s32 $0x0, s21;
	[sflag:s23] =	ssyncset.done $0x0  }
0x18: {  	[sflag:s23] =	ssyncadd.s32 s4;
	_ =	sdelay $0x1  }
0x19: {  	s24 =	simm.s32 $0x1B8B  }
0x1a: {  	_ =	swait.ge [sflag:s24], $0x1  }
0x1b: {  	[sflag:s24] =	ssyncset.done $0x0  }
0x1c: {  	s26 =	simm.s32 $0x1B8E;
	s25 =	sld [smem:$0x3FFE];
	[sflag:s24] =	ssyncadd.s32 $0xFFFFFFFF  }
0x1d: {  	s27 =	simm.s32 $execute0_lowered;
	[smem:$0x3FD2] =	sst s26  }
0x1e: {  	s5 =	sshll.u32 s27, $0x1;
	_ =	strace $0x80000049;
	[dreg:$0x1] =	wrdreg $0xFFFFFFFF  }
0x1f: {  	s28 =	simm.s32 $_size_execute0_lowered;
	s3 =	sadd.s32 s3, s5;
	[dreg:$0x0] =	wrdreg $0x0  }
0x20: {  	s5 =	sshll.u32 s28, $0x1;
	[dreg:$0x2] =	wrdreg s3  }
0x21: {  	[dreg:$0x3] =	wrdreg s5  }
0x22: {  	[dreg:$0x4] =	wrdreg $0xC0  }
0x23: {  	_ =	task [dreg:s7], $0x5FFFF  }
0x24: {  	[dreg:$0x1] =	wrdreg $0xFFFFFFFF  }
0x25: {  	[dreg:$0x0] =	wrdreg $0x60  }
0x26: {  	[dreg:$0x2] =	wrdreg s25  }
0x27: {  	[dreg:$0x3] =	wrdreg s2  }
0x28: {  	[dreg:$0x4] =	wrdreg $0x9  }
0x29: {  	_ =	task.clear_ibuf [dreg:s7], $0x5FFFF;
	_ =	strace $0x90000049  }
0x2a: {  	s29 =	simm.s32 $0x9;
	_ =	strace $0x8000004B  }
0x2b: {  	_ =	swait.ge [sflag:s29], $0x1  }
0x2c: {  	[sflag:s29] =	ssyncadd.s32 $0xFFFFFFFF  }
0x2d: {  	_ =	strace $0x9000004B  }
0x2e: {  	_ =	sfence  }
0x2f: {  	s30 =	sld [smem:$0x0];
	_ =	sdelay $0x2  }
0x30: {  	s31 =	sshll.u32 s1, $0xD;
	s1 =	sshrl.u32 s1, $0x2  }
0x31: {  	s3 =	sand.u32 $0x4000, s31;
	s1 =	sadd.s32 s1, s30  }
0x32: {  	s0 =	sor.u32 s3, s0;
	s1 =	sshll.u32 s1, $0x11  }
0x33: {  	s0 =	sor.u32 s1, s0  }
0x34: {  	s0 =	sadd.s32 $0x8F2B, s0  }
0x35: {  	[sflag:s0] =	ssyncadd.remote.s32 $0x1  }
0x36: {  	_ =	sfence.sel $0xFFFF  }
0x37: {  	[dreg:$0x0] =	wrdreg $0xFFFFFFFF;
	(pc) =	sbr.abs _section_cstart, $3  }
0x38: {  	[dreg:$0x1] =	wrdreg $0xFFFFFFFF  }
0x39: {  	_ =	task.clear_ibuf [dreg:s7], $0x2FFFF;
	_ =	strace $0x9FFFFFFF  }
0x3a: {  	(tm) =	ssettm $0x7FFFFFFF  }
0x3b: {  	_ =	shalt  }
tec
execute0_lowered:
.L_overlay_start_1:
0x0: {  	(tag) =	ssettag $0x1  }
0x1: {  	s8 =	rddreg [dreg:$0x0]  }
0x2: {  	s0 =	srdreg.scid;
	s2 =	rddreg [dreg:$0x1]  }
0x3: {  	s6 =	simm.s32 $0x1;
	s30 =	simm.s32 $0x2;
	s15 =	simm.s32 $0x0  }
0x4: {  	s16 =	simm.s32 $0x0;
	s1 =	sshll.u32 s0, $0x4;
	s0 =	stileid.u32  }
0x5: {  	s17 =	simm.s32 $0x0;
	s1 =	sand.u32 $0x10, s1;
	s28 =	sshll.u32 s0, $0x6  }
0x6: {  	s14 =	simm.s32 $0x0;
	s4 =	sor.u32 s0, s1;
	s3 =	sand.u32 $0x80, s28  }
0x7: {  	s1 =	rddreg [dreg:$0x2];
	_ =	strace $0x8000004A;
	s5 =	sshrl.u32 s4, $0x2  }
0x8: {  	s4 =	sshll.u32 s4, $0x5;
	[sflag:s6] =	ssyncpa.u1 $0x0;
	s29 =	smax.u32 s3, $0x48  }
0x9: {  	s5 =	sor.u32 s3, s5;
	s4 =	sand.u32 $0x380, s4;
	s31 =	sshll.u32 s29, $0x7  }
0xa: {  	s9 =	sshll.u32 s5, $0x7;
	s5 =	sand.u32 $0x1, s0;
	s7 =	ssub.s32 $0x400, s4  }
0xb: {  	s10 =	ssub.s32 $0xC4, s5;
	s11 =	sand.u32 $0x380, s7;
	s7 =	sshrl.u32 s7, $0xA  }
0xc: {  	s12 =	sshrl.u32 s10, $0x1;
	p0 =	sne.s32 s11, $0x0;
	s11 =	simm.s32 $0x1  }
.Ltmp0:
0xd: {  	s10 =	sand.u32 $0x1, s10;
	s11 =	simm.s32 @!p0 $0x0;
	(pc) =	sbr.rel .LBB1_1-.Ltmp0, $4  }
0xe: {  	[sflag:s30] =	ssyncpa.u1 $0x0;
	s10 =	sadd.s32 s10, s12;
	s7 =	sadd.s32 s11, s7  }
0xf: {  	s9 =	sadd.s32 s9, s8;
	s8 =	sxor.u32 $0x6400, s31;
	s7 =	smul.u32 s10, s7  }
0x10: {  	s13 =	smov.u32 s5;
	s9 =	sadd.s32 $0x19200, s9;
	p0 =	por $0x0, $0x0  }
0x11: {  	s12 =	simm.s32 $0x800;
	s11 =	simm.s32 $0x400;
	s10 =	sadd.s32 $0x1, s7  }
.LBB1_4:
0x12: {  	v5 =	vld [tilespmem:s21+$0xFFFFFFD0];
	[tilespmem:s20+$0x2040 ss:$0x81] =	vst.msk $0xffff, v1  }
0x13: {  	v58 =	vld [tilespmem:s21+$0xFFFFFFE0];
	[tilespmem:s20+$0x2850 ss:$0x81] =	vst.msk $0xffff, v2  }
0x14: {  	s22 =	sshra.s32 s22, $0x2;
	v59 =	vld [tilespmem:s21+$0xFFFFFFF0];
	[tilespmem:s20+$0x3060 ss:$0x81] =	vst.msk $0xffff, v3  }
0x15: {  	v60 =	vld [tilespmem:s21+$0x0];
	[tilespmem:s20+$0x0 ss:$0x81] =	vst.msk $0xffff, v0;
	s19 =	sadd.s32 s22, s19  }
0x16: {  	v61 =	vld [tilespmem:s21+$0x10];
	[tilespmem:s19+$0x3870 ss:$0x81] =	vst.msk $0xffff, v4  }
0x17: {  	v62 =	vld [tilespmem:s21+$0x20];
	[tilespmem:s19+$0x810 ss:$0x81] =	vst.msk $0xffff, v5  }
0x18: {  	v63 =	vld [tilespmem:s21+$0xFFFFFFC0];
	[tilespmem:s19+$0x1020 ss:$0x81] =	vst.msk $0xffff, v58  }
0x19: {  	[tilespmem:s19+$0x1830 ss:$0x81] =	vst.msk $0xffff, v59  }
0x1a: {  	s17 =	sshll.u32 s17, $0xF;
	[tilespmem:s19+$0x2040 ss:$0x81] =	vst.msk $0xffff, v60  }
0x1b: {  	s17 =	sadd.s32 s2, s17;
	[tilespmem:s19+$0x2850 ss:$0x81] =	vst.msk $0xffff, v61  }
0x1c: {  	s15 =	sshll.u32 s15, $0x5;
	s16 =	sadd.s32 s16, s17;
	[tilespmem:s19+$0x3060 ss:$0x81] =	vst.msk $0xffff, v62  }
0x1d: {  	s15 =	sadd.s32 s15, s16;
	[tilespmem:s19+$0x0 ss:$0x81] =	vst.msk $0xffff, v63  }
0x1e: {  	[hbm4b:s15+s11] =	stream.strided.scatter [tilespmem:s18], [sflag:$0x2], $0x4000, s12, s11, $0x20;
	[tilespmem:$0x10100] =	vst v63  }
.LBB1_5:
0x1f: {  	s18 =	sadd.s32 $0x2, s13  }
0x20: {  	p2 =	sgt.s32 s18, $0xC3  }
0x21: {  	s18 =	smov.u32 @p2 s5;
	p2 =	sne.s32 s14, s10  }
.Ltmp1:
0x22: {  	p1 =	slt.u32 s14, $0x2;
	(pc) =	sbr.rel @!p2 .LBB1_6-.Ltmp1, $4  }
0x23: {  	s19 =	sadd.s32 $0x1, s14;
	s15 =	simm.s32 @!p1 $0x2  }
0x24: {  	s17 =	smov.u32 s13;
	p0 =	por !p0, !p0;
	_ =	swait.ge @!p1 [sflag:s15], $0x4000  }
0x25: {  	s16 =	smov.u32 s3;
	s14 =	smov.u32 s19;
	[sflag:s15] =	ssyncset.done @!p1 $0x0  }
0x26: {  	s13 =	smov.u32 s18;
	[sflag:s15] =	ssyncadd.s32 @!p1 $0xFFFFC000;
	s15 =	smov.u32 s4  }
.LBB1_1:
0x27: {  	p1 =	sge.u32 s14, s7  }
0x28: {  	p2 =	sgt.s32 @!p1 s13, $0xC3  }
0x29: {  	s18 =	smov.u32 s13;
	s19 =	sshra.s32 @!p1 s13, $0x1F;
	p2 =	por !p2, p1  }
0x2a: {  	s19 =	sand.u32 @!p1 s19, s13;
	s18 =	simm.s32 @p2 $0xC3  }
0x2b: {  	s18 =	ssub.s32 @!p1 s18, s19  }
0x2c: {  	s19 =	sadd.s32 @!p1 $0xFFFFFF3D, s18  }
0x2d: {  	p2 =	sgt.s32 @!p1 s19, $0x0  }
0x2e: {  	s18 =	ssub.s32 @!p1 $0xC4, s18;
	p2 =	por !p2, p1  }
0x2f: {  	s20 =	smul.u32 @!p1 $0x6400, s13;
	s18 =	simm.s32 @!p2 $0x0  }
0x30: {  	s31 =	sadd.s32 $0xFFFFFFFF, s14;
	s19 =	sxor.u32 @!p1 $0xFFFFFFFF, s14;
	s18 =	smul.u32 @!p1 s18, s8  }
0x31: {  	s21 =	simm.s32 @!p1 $0x400;
	s22 =	simm.s32 @!p1 $0x2000;
	s19 =	sshll.u32 @!p1 s19, $0xE  }
0x32: {  	s20 =	sadd.s32 @!p1 s20, s9;
	s19 =	sand.u32 @!p1 $0x4000, s19;
	s18 =	sand.u32 @!p1 $0x3FFFFC00, s18  }
0x33: {  	[tilespmem:s19], [sflag:$0x1] =	stream.strided.gather @!p1 [hbm4b:s20+s21], s18, s22, s21, $0x38;
	[tilespmem:$0x10100] =	vst v63  }
0x34: {  	p1 =	sge.u32 s31, s7  }
.Ltmp2:
0x35: {  	_ = 	snop;
	(pc) =	sbr.rel @p1 .LBB1_5-.Ltmp2, $1  }
0x36: {  	_ =	sdelay $0x3  }
0x37: {  	p1 =	sgt.s32 s17, $0xC3;
	s18 =	smov.u32 s17;
	s19 =	sshra.s32 s17, $0x1F  }
0x38: {  	s18 =	simm.s32 @!p1 $0xC3;
	s19 =	sand.u32 s19, s17  }
0x39: {  	p1 =	sgt.s32 s16, $0x48;
	s18 =	ssub.s32 s18, s19;
	s19 =	smov.u32 s16  }
0x3a: {  	s20 =	sadd.s32 $0xFFFFFF3D, s18;
	s19 =	simm.s32 @!p1 $0x48  }
0x3b: {  	s18 =	ssub.s32 $0xC4, s18;
	p1 =	sgt.s32 s20, $0x0;
	s19 =	sshll.u32 s19, $0x7  }
0x3c: {  	s18 =	simm.s32 @p1 $0x0;
	s19 =	ssub.s32 $0x6400, s19  }
0x3d: {  	s18 =	smul.u32 s18, s19;
	_ =	sdelay $0x1  }
0x3e: {  	s19 =	simm.s32 $0x1;
	s18 =	sand.u32 $0x3FFFFF80, s18  }
0x3f: {  	s19 =	simm.s32 @!p0 $0x0;
	_ =	swait.ge [sflag:s6], s18  }
0x40: {  	s29 =	sshll.u32 s19, $0xE;
	s18 =	ssub.s32 $0x0, s18;
	[sflag:s6] =	ssyncset.done $0x0  }
0x41: {  	s21 =	sor.u32 $0x40, s29;
	[sflag:s6] =	ssyncadd.s32 s18  }
0x42: {  	s30 =	smul.u32 $0x10200, s19;
	v0 =	vld [tilespmem:s21+$0x30]  }
0x43: {  	v3 =	vld [tilespmem:s21+$0xFFFFFFD0]  }
0x44: {  	s18 =	sshrl.u32 s30, $0x2;
	v4 =	vld [tilespmem:s21+$0xFFFFFFE0]  }
0x45: {  	s19 =	sor.u32 $0x8000, s18;
	v5 =	vld [tilespmem:s21+$0xFFFFFFF0]  }
0x46: {  	s31 =	sand.u32 $0x1, s14;
	v1 =	vld [tilespmem:s21+$0x0];
	s20 =	sadd.s32 $0x0, s19  }
0x47: {  	s18 =	smul.u32 $0x10200, s31;
	v2 =	vld [tilespmem:s21+$0x10];
	[tilespmem:s20+$0x3870 ss:$0x81] =	vst.msk $0xffff, v0  }
0x48: {  	[tilespmem:s20+$0x810 ss:$0x81] =	vst.msk $0xffff, v3;
	v3 =	vld [tilespmem:s21+$0x20]  }
0x49: {  	s18 =	sshrl.u32 s18, $0x2;
	v0 =	vld [tilespmem:s21+$0xFFFFFFC0];
	[tilespmem:s20+$0x1020 ss:$0x81] =	vst.msk $0xffff, v4;
	s21 =	sadd.s32 $0x80, s21  }
0x4a: {  	s22 =	simm.s32 $0x4;
	s23 =	simm.s32 $0x8;
	s18 =	sor.u32 $0x8000, s18;
	[tilespmem:s20+$0x1830 ss:$0x81] =	vst.msk $0xffff, v5;
	v4 =	vld [tilespmem:s21+$0x30]  }
.LBB1_3:
0x4b: {  	p1 =	sne.s32 s23, $0x1FC;
	v5 =	vld [tilespmem:s21+$0xFFFFFFD0];
	[tilespmem:s20+$0x2040 ss:$0x81] =	vst.msk $0xffff, v1  }
0x4c: {  	v6 =	vld [tilespmem:s21+$0xFFFFFFE0];
	[tilespmem:s20+$0x2850 ss:$0x81] =	vst.msk $0xffff, v2  }
0x4d: {  	s24 =	sshra.s32 s22, $0x2;
	s22 =	smov.u32 s23;
	v7 =	vld [tilespmem:s21+$0xFFFFFFF0];
	[tilespmem:s20+$0x3060 ss:$0x81] =	vst.msk $0xffff, v3  }
.Ltmp3:
0x4e: {  	v1 =	vld [tilespmem:s21+$0x0];
	[tilespmem:s20+$0x0 ss:$0x81] =	vst.msk $0xffff, v0;
	s20 =	sadd.s32 s24, s19;
	(pc) =	sbr.rel @p1 .LBB1_3-.Ltmp3, $4  }
0x4f: {  	v2 =	vld [tilespmem:s21+$0x10];
	[tilespmem:s20+$0x3870 ss:$0x81] =	vst.msk $0xffff, v4  }
0x50: {  	[tilespmem:s20+$0x810 ss:$0x81] =	vst.msk $0xffff, v5;
	v3 =	vld [tilespmem:s21+$0x20]  }
0x51: {  	v0 =	vld [tilespmem:s21+$0xFFFFFFC0];
	[tilespmem:s20+$0x1020 ss:$0x81] =	vst.msk $0xffff, v6;
	s21 =	sadd.s32 $0x80, s21  }
0x52: {  	s23 =	sadd.s32 $0x4, s23;
	v4 =	vld [tilespmem:s21+$0x30];
	[tilespmem:s20+$0x1830 ss:$0x81] =	vst.msk $0xffff, v7  }
.Ltmp4:
0x53: {  	_ = 	snop;
	(pc) =	sbr.rel .LBB1_4-.Ltmp4, $1  }
0x54: {  	_ =	sdelay $0x3  }
.LBB1_6:
0x55: {  	_ =	sfence.sel $0x180000  }
0x56: {  	s2 =	simm.s32 $0x1;
	[bflag:$0x0] =	sbarrier.arrive $0xFFFF  }
0x57: {  	s31 =	simm.s32 $0x2;
	[sflag:s2] =	ssyncpa.u1 $0x1  }
0x58: {  	[sflag:s31] =	ssyncpa.u1 $0x1  }
0x59: {  	p0 =	sne.s32 s0, $0x0;
	_ =	strace $0x9000004A  }
0x5a: {  	s0 =	sadd.s32 @!p0 $0x100000, s1;
	[bflag:$0x2] =	sbarrier.arrive $0xFFFF  }
0x5b: {  	[sflag:s0] =	ssyncadd.tile.s32 @!p0 $0x1;
	_ =	shalt  }
.Lfunc_end1:
_tile_overlayer_lowered:
.L_overlay_start_2:
0x5c: {  	(tag) =	ssettag $0x2  }
0x5d: {  	s0 =	rddreg [dreg:$0x0];
	s2 =	stileid.u32  }
0x5e: {  	s1 =	rddreg [dreg:$0x1];
	p0 =	sne.s32 s2, $0x0  }
0x5f: {  	s3 =	rddreg [dreg:$0x2];
	[bflag:$0x3] =	sbarrier.arrive $0xFFFF;
	s2 =	simm.s32 @!p0 $0x1C01  }
0x60: {  	[timem:s3], [sflag:s2] =	dma.local @!p0 [hbm:s0], s1  }
0x61: {  	s0 =	simm.s32 @!p0 $0x1  }
0x62: {  	_ =	swait.ge @!p0 [sflag:s0], s1  }
0x63: {  	s1 =	ssub.s32 @!p0 $0x0, s1;
	[sflag:s0] =	ssyncset.done @!p0 $0x0  }
0x64: {  	[sflag:s0] =	ssyncadd.s32 @!p0 s1  }
0x65: {  	[bflag:$0x3] =	sbarrier.arrive $0xFFFF  }
0x66: {  	_ =	shalt  }

</sc_bundles>
